<compile_context>
chip_gen: v7x
topology: tpu7x:2x2x1
jax: 0.10.2.dev20260603
libtpu: 0.0.44.dev20260713+nightly
codegen_flags: <defaults>
</compile_context>

<pallas_src>
import functools
import math


def _dyn_splat(vec, k):
    import jax.numpy as _jnp
    from jax import lax as _lax
    return _lax.gather(
        vec, _jnp.full((16, 1), k, _jnp.int32),
        _lax.GatherDimensionNumbers(
            offset_dims=(), collapsed_slice_dims=(0,), start_index_map=(0,)),
        (1,), mode=_lax.GatherScatterMode.PROMISE_IN_BOUNDS)

import jax
import jax.numpy as jnp
from jax import lax
from jax.experimental import pallas as pl
from jax.experimental.pallas import tpu as pltpu
from jax.experimental.pallas import tpu_sc as plsc

_B = 1024
_F = 784
_T = 3
_H1 = 2000
_H2 = 1000
_N = 6
_K = 10
_TAU = 1.0 / 0.3
_LANES = 16
_NW = 32
_ROWS = _B // _NW
_BV = _ROWS // _LANES
_C1 = 100
_G = _H2 // _K


def _body(x_hbm, thr_hbm, w1_hbm, w2_hbm, idx1_hbm, idx2_hbm, out_hbm,
          x_v, h1_v, idx1c_v, thr_v, idx2c_v, sig1c_v, sig2c_v, stage_v,
          out_v, sp1, sp2, sp_idx1, sp_idx2, dsem1, dsem2):
    cid = lax.axis_index("c")
    sid = lax.axis_index("s")
    wid = cid * 16 + sid
    iota = lax.iota(jnp.int32, _LANES)

    pltpu.sync_copy(thr_hbm, thr_v)
    pltpu.sync_copy(x_hbm.at[pl.ds(wid * _ROWS * _F, _ROWS * _F)], x_v)

    @pl.when(sid == 0)
    def _():
        pltpu.sync_copy(idx1_hbm, sp_idx1)
        pltpu.sync_copy(idx2_hbm, sp_idx2)

    def _stage(w_hbm, sp, num_chunks):
        def chunk(i, _):
            c = i * 16 + sid

            @pl.when(c < num_chunks)
            def _():
                start = c * 512
                pltpu.sync_copy(w_hbm.at[pl.ds(start, 512)], stage_v)

                def svec(k, _):
                    v = stage_v[pl.ds(k * _LANES, _LANES)]
                    stage_v[pl.ds(k * _LANES, _LANES)] = (
                        1.0 / (1.0 + jnp.exp(-v)))
                    return 0

                lax.fori_loop(0, 512 // _LANES, svec, 0)
                pltpu.sync_copy(stage_v, sp.at[pl.ds(start, 512)])

            return 0

        lax.fori_loop(0, (num_chunks + 15) // 16, chunk, 0)

    _stage(w1_hbm, sp1, _H1 * 64 // 512)
    _stage(w2_hbm, sp2, _H2 * 64 // 512)

    plsc.subcore_barrier()

    rowbase = [(iota + bv * _LANES) * _F for bv in range(_BV)]
    colbase = [iota + bv * _LANES for bv in range(_BV)]

    idx1c_v[pl.ds(_C1 * _N, _LANES)] = jnp.zeros((_LANES,), jnp.int32)
    idx2c_v[pl.ds(_G * _N, _LANES)] = jnp.zeros((_LANES,), jnp.int32)

    def l1chunk(ch, _):
        c1 = pltpu.async_copy(
            sp1.at[pl.ds(ch * _C1 * 64, _C1 * 64)], sig1c_v, dsem1)
        c2 = pltpu.async_copy(
            sp_idx1.at[pl.ds(ch * _C1 * _N, _C1 * _N)],
            idx1c_v.at[pl.ds(0, _C1 * _N)], dsem2)
        c1.wait()
        c2.wait()

        def l1body(o, _):
            og = ch * _C1 + o
            arow = plsc.load_gather(
                idx1c_v, [jnp.full((_LANES,), o * _N, jnp.int32) + iota])
            throw = plsc.load_gather(thr_v, [arow])
            frow = lax.shift_right_logical(arow * 21846, 16)
            codes = [jnp.zeros((_LANES,), jnp.int32) for _ in range(_BV)]
            for j in range(_N):
                fvec = jnp.full((_LANES,), frow[j], jnp.int32)
                thv = jnp.full((_LANES,), throw[j], jnp.float32)
                for bv in range(_BV):
                    xv = plsc.load_gather(x_v, [rowbase[bv] + fvec])
                    codes[bv] = codes[bv] + jnp.where(xv > thv, 1 << j, 0)
            obase = jnp.full((_LANES,), o * 64, jnp.int32)
            for bv in range(_BV):
                h = plsc.load_gather(sig1c_v, [obase + codes[bv]])
                h1_v[pl.ds(og * _ROWS + bv * _LANES, _LANES)] = h
            return 0

        lax.fori_loop(0, _C1, l1body, 0, unroll=2)
        return 0

    lax.fori_loop(0, _H1 // _C1, l1chunk, 0)

    def _run_group(g, _):
        c1 = pltpu.async_copy(
            sp2.at[pl.ds(g * _G * 64, _G * 64)],
            sig2c_v.at[pl.ds(0, _G * 64)], dsem1)
        c2 = pltpu.async_copy(
            sp_idx2.at[pl.ds(g * _G * _N, _G * _N)],
            idx2c_v.at[pl.ds(0, _G * _N)], dsem2)
        c1.wait()
        c2.wait()

        def l2body(o2, accs):
            arow = plsc.load_gather(
                idx2c_v, [jnp.full((_LANES,), o2 * _N, jnp.int32) + iota])
            abrow = arow * _ROWS
            spk = []
            for j in range(_N):
                abase = jnp.full((_LANES,), abrow[j], jnp.int32)
                s0 = plsc.load_gather(h1_v, [abase + colbase[0]])
                s1 = plsc.load_gather(h1_v, [abase + colbase[1]])
                spk.append(plsc.pack(s0, s1,
                                     format=plsc.PackFormat.INTERLEAVED))

            t = [sig2c_v[pl.ds(o2 * 64 + k * _LANES, _LANES)]
                 for k in range(4)]

            def splat(c):
                v = jnp.full((_LANES,), t[c // _LANES][c % _LANES],
                             jnp.float32)
                return plsc.pack(v, v, format=plsc.PackFormat.INTERLEAVED)

            def rec(base, size):
                if size == 2:
                    lo = splat(base)
                    d = splat(base + 1) - lo
                    return lo + spk[0] * d
                half = size // 2
                j = int(math.log2(size)) - 1
                lo = rec(base, half)
                hi = rec(base + half, half)
                return lo + spk[j] * (hi - lo)

            v0, v1 = plsc.unpack(rec(0, 64),
                                 format=plsc.PackFormat.INTERLEAVED)
            vals = (v0, v1)
            return tuple(accs[bv] + vals[bv] for bv in range(_BV))

        accs = lax.fori_loop(
            0, _G, l2body,
            tuple(jnp.zeros((_LANES,), jnp.float32) for _ in range(_BV)))
        inv_tau = jnp.float32(1.0 / _TAU)
        for bv in range(_BV):
            plsc.store_scatter(
                out_v, [(iota + bv * _LANES) * _K + g], accs[bv] * inv_tau)
        return 0

    lax.fori_loop(0, _K, _run_group, 0)

    pltpu.sync_copy(out_v, out_hbm.at[pl.ds(wid * _ROWS * _K, _ROWS * _K)])


_mesh = plsc.VectorSubcoreMesh(core_axis_name="c", subcore_axis_name="s")

_dwn = functools.partial(
    pl.kernel,
    out_type=jax.ShapeDtypeStruct((_B * _K,), jnp.float32),
    mesh=_mesh,
    compiler_params=pltpu.CompilerParams(needs_layout_passes=False,
                                         disable_bounds_checks=True),
    scratch_types=[
        pltpu.VMEM((_ROWS * _F,), jnp.float32),
        pltpu.VMEM((_H1 * _ROWS,), jnp.float32),
        pltpu.VMEM((_C1 * _N + _LANES,), jnp.int32),
        pltpu.VMEM((_F * _T,), jnp.float32),
        pltpu.VMEM((_G * _N + _LANES,), jnp.int32),
        pltpu.VMEM((_C1 * 64,), jnp.float32),
        pltpu.VMEM((_G * 64 + _LANES,), jnp.float32),
        pltpu.VMEM((512,), jnp.float32),
        pltpu.VMEM((_ROWS * _K,), jnp.float32),
        pltpu.VMEM_SHARED((_H1 * 64,), jnp.float32),
        pltpu.VMEM_SHARED((_H2 * 64,), jnp.float32),
        pltpu.VMEM_SHARED((_H1 * _N,), jnp.int32),
        pltpu.VMEM_SHARED((_H2 * _N,), jnp.int32),
        pltpu.SemaphoreType.DMA,
        pltpu.SemaphoreType.DMA,
    ],
)(_body)


def kernel(x, thresholds, lut_w1, lut_w2, idx1, idx2):
    out = _dwn(x.reshape(-1), thresholds.reshape(-1), lut_w1.reshape(-1),
               lut_w2.reshape(-1), idx1.reshape(-1), idx2.reshape(-1))
    return out.reshape(_B, _K)

# --- scband reference (transcript-rebuilt; emitter-appended) ---
"""Pipeline reference for scband-dwnmodel-26731876450941 (READ-ONLY COPY).

The authoritative reference and input builder live on the scoring server;
editing this copy changes nothing except your own understanding.
"""

import jax, jax.numpy as jnp
import numpy as np

B = 1024
F = 784
T = 3
I1 = F * T
HIDDEN = [2000, 1000]
N = 6
K = 10
TAU = 1.0 / 0.3


def setup_inputs(seed: int = 0) -> dict:
    key = jax.random.key(seed)
    k1, k2, k3, k4, k5 = jax.random.split(key, 5)
    x = jax.random.uniform(k1, (B, F), dtype=jnp.float32)
    # DistributiveThermometer: feature-wise quantile thresholds (fit on uniform data -> evenly spaced quantiles)
    q = jnp.arange(1, T + 1, dtype=jnp.float32) / (T + 1)
    thresholds = jnp.tile(q[None, :], (F, 1))  # [F, T]
    # LUT weights (2^n entries per output unit)
    lut_w1 = jax.random.normal(k2, (HIDDEN[0], 2 ** N), dtype=jnp.float32)
    lut_w2 = jax.random.normal(k3, (HIDDEN[1], 2 ** N), dtype=jnp.float32)
    # Random input mappings (fixed buffers): n input bits per LUT
    idx1 = jax.random.randint(k4, (HIDDEN[0], N), 0, I1, dtype=jnp.int32)
    idx2 = jax.random.randint(k5, (HIDDEN[1], N), 0, HIDDEN[0], dtype=jnp.int32)
    return {"x": x, "thresholds": thresholds, "lut_w1": lut_w1, "lut_w2": lut_w2, "idx1": idx1, "idx2": idx2}


def _thermometer(x, thresholds):
    # [B, F] -> binary [B, F*T]
    bits = (x[:, :, None] > thresholds[None, :, :]).astype(jnp.float32)
    return bits.reshape(x.shape[0], -1)


def _lut_layer(h, idx, lut_w, n):
    # Differentiable LUT: gather the n mapped bits per output unit, then
    # multilinear interpolation over the 2^n LUT entries (equals hard LUT
    # lookup when inputs are exactly binary). Implemented as iterated lerp.
    sel = jnp.take(h, idx, axis=1)            # [B, O, n] gather
    v = jax.nn.sigmoid(lut_w)[None, :, :]     # [1, O, 2^n], entries in (0,1)
    for j in range(n - 1, -1, -1):
        half = 2 ** j
        s = sel[:, :, j:j + 1]                # bit j is high bit of current block
        v = v[:, :, :half] * (1.0 - s) + v[:, :, half:] * s
    return v[:, :, 0]                          # [B, O]


def _group_sum(h, k, tau):
    g = h.reshape(h.shape[0], k, -1).sum(axis=-1)
    return g / tau


def reference(x, thresholds, lut_w1, lut_w2, idx1, idx2):
    h = _thermometer(x, thresholds)
    h = _lut_layer(h, idx1, lut_w1, N)
    h = _lut_layer(h, idx2, lut_w2, N)
    return _group_sum(h, K, TAU)

if __name__ == "__main__":
    import jax
    _d = setup_inputs()
    print(jax.jit(kernel)(*tuple(_d.values())))

</pallas_src>

<mosaic_0001>
#map = affine_map<(d0, d1) -> (0)>
module attributes {stable_mosaic.version = 14 : i64} {
  func.func @_body(%arg0: i32, %arg1: i32, %arg2: memref<802816xf32, #tpu.memory_space<hbm>>, %arg3: memref<2352xf32, #tpu.memory_space<hbm>>, %arg4: memref<128000xf32, #tpu.memory_space<hbm>>, %arg5: memref<64000xf32, #tpu.memory_space<hbm>>, %arg6: memref<12000xi32, #tpu.memory_space<hbm>>, %arg7: memref<6000xi32, #tpu.memory_space<hbm>>, %arg8: memref<10240xf32, #tpu.memory_space<hbm>>, %arg9: memref<25088xf32, #tpu.memory_space<vmem>>, %arg10: memref<64000xf32, #tpu.memory_space<vmem>>, %arg11: memref<616xi32, #tpu.memory_space<vmem>>, %arg12: memref<2352xf32, #tpu.memory_space<vmem>>, %arg13: memref<616xi32, #tpu.memory_space<vmem>>, %arg14: memref<6400xf32, #tpu.memory_space<vmem>>, %arg15: memref<6416xf32, #tpu.memory_space<vmem>>, %arg16: memref<512xf32, #tpu.memory_space<vmem>>, %arg17: memref<320xf32, #tpu.memory_space<vmem>>, %arg18: memref<128000xf32, #tpu.memory_space<vmem_shared>>, %arg19: memref<64000xf32, #tpu.memory_space<vmem_shared>>, %arg20: memref<12000xi32, #tpu.memory_space<vmem_shared>>, %arg21: memref<6000xi32, #tpu.memory_space<vmem_shared>>, %arg22: memref<!tpu.dma_semaphore, #tpu.memory_space<semaphore_mem>>, %arg23: memref<!tpu.dma_semaphore, #tpu.memory_space<semaphore_mem>>) attributes {dimension_semantics = [#tpu.dimension_semantics<core_parallel>, #tpu.dimension_semantics<subcore_parallel>], iteration_bounds = array<i64: 2, 16>, scalar_prefetch = 0 : i64, scratch_operands = 15 : i64, tpu.core_type = #tpu.core_type<sc_vector_subcore>, window_params = [{transform_indices = #map}, {transform_indices = #map}, {transform_indices = #map}, {transform_indices = #map}, {transform_indices = #map}, {transform_indices = #map}, {transform_indices = #map}]} {
    %mul3A = arith.constant 16 : i32
    %mul3A_0 = arith.muli %arg0, %mul3A : i32
    %add3A = arith.addi %mul3A_0, %arg1 : i32
    %iota3A = tpu.iota {dimensions = array<i32: 0>} : vector<16xi32>
    "tpu.region"() ({
      %run_scoped3A = tpu.sem_alloc : memref<!tpu.dma_semaphore, #tpu.memory_space<semaphore_mem>>
      tpu.enqueue_dma source(%arg3 : memref<2352xf32, #tpu.memory_space<hbm>>) target(%arg12 : memref<2352xf32, #tpu.memory_space<vmem>>) target_semaphore(%run_scoped3A : memref<!tpu.dma_semaphore, #tpu.memory_space<semaphore_mem>>)
      tpu.wait_dma2 semaphore(%run_scoped3A : memref<!tpu.dma_semaphore, #tpu.memory_space<semaphore_mem>>) src(%arg3 : memref<2352xf32, #tpu.memory_space<hbm>>) dst(%arg12 : memref<2352xf32, #tpu.memory_space<vmem>>)
      tpu.yield
    }) : () -> ()
    %mul3A_1 = arith.constant 32 : i32
    %mul3A_2 = arith.muli %add3A, %mul3A_1 : i32
    %mul3A_3 = arith.constant 784 : i32
    %mul3A_4 = arith.muli %mul3A_2, %mul3A_3 : i32
    "tpu.region"() ({
      %run_scoped3A = tpu.sem_alloc : memref<!tpu.dma_semaphore, #tpu.memory_space<semaphore_mem>>
      %dma_start3A = tpu.memref_slice %arg2[%mul3A_4] : memref<802816xf32, #tpu.memory_space<hbm>> -> memref<25088xf32, #tpu.memory_space<hbm>>
      %dma_start3A_62 = tpu.memref_slice %arg2[%mul3A_4] : memref<802816xf32, #tpu.memory_space<hbm>> -> memref<25088xf32, #tpu.memory_space<hbm>>
      tpu.enqueue_dma source(%dma_start3A_62 : memref<25088xf32, #tpu.memory_space<hbm>>) target(%arg9 : memref<25088xf32, #tpu.memory_space<vmem>>) target_semaphore(%run_scoped3A : memref<!tpu.dma_semaphore, #tpu.memory_space<semaphore_mem>>)
      %dma_wait3A = tpu.memref_slice %arg2[%mul3A_4] : memref<802816xf32, #tpu.memory_space<hbm>> -> memref<25088xf32, #tpu.memory_space<hbm>>
      %dma_wait3A_63 = tpu.memref_slice %arg2[%mul3A_4] : memref<802816xf32, #tpu.memory_space<hbm>> -> memref<25088xf32, #tpu.memory_space<hbm>>
      tpu.wait_dma2 semaphore(%run_scoped3A : memref<!tpu.dma_semaphore, #tpu.memory_space<semaphore_mem>>) src(%dma_wait3A_63 : memref<25088xf32, #tpu.memory_space<hbm>>) dst(%arg9 : memref<25088xf32, #tpu.memory_space<vmem>>)
      tpu.yield
    }) : () -> ()
    %eq3A = arith.constant 0 : i32
    %eq3A_5 = arith.cmpi eq, %arg1, %eq3A : i32
    %convert_element_type3A = arith.extui %eq3A_5 : i1 to i32
    %cond3A = arith.constant 0 : i32
    %cond3A_6 = arith.cmpi ne, %convert_element_type3A, %cond3A : i32
    scf.if %cond3A_6 {
      "tpu.region"() ({
        %run_scoped3A = tpu.sem_alloc : memref<!tpu.dma_semaphore, #tpu.memory_space<semaphore_mem>>
        tpu.enqueue_dma source(%arg6 : memref<12000xi32, #tpu.memory_space<hbm>>) target(%arg20 : memref<12000xi32, #tpu.memory_space<vmem_shared>>) target_semaphore(%run_scoped3A : memref<!tpu.dma_semaphore, #tpu.memory_space<semaphore_mem>>)
        tpu.wait_dma2 semaphore(%run_scoped3A : memref<!tpu.dma_semaphore, #tpu.memory_space<semaphore_mem>>) src(%arg6 : memref<12000xi32, #tpu.memory_space<hbm>>) dst(%arg20 : memref<12000xi32, #tpu.memory_space<vmem_shared>>)
        tpu.yield
      }) : () -> ()
      "tpu.region"() ({
        %run_scoped3A = tpu.sem_alloc : memref<!tpu.dma_semaphore, #tpu.memory_space<semaphore_mem>>
        tpu.enqueue_dma source(%arg7 : memref<6000xi32, #tpu.memory_space<hbm>>) target(%arg21 : memref<6000xi32, #tpu.memory_space<vmem_shared>>) target_semaphore(%run_scoped3A : memref<!tpu.dma_semaphore, #tpu.memory_space<semaphore_mem>>)
        tpu.wait_dma2 semaphore(%run_scoped3A : memref<!tpu.dma_semaphore, #tpu.memory_space<semaphore_mem>>) src(%arg7 : memref<6000xi32, #tpu.memory_space<hbm>>) dst(%arg21 : memref<6000xi32, #tpu.memory_space<vmem_shared>>)
        tpu.yield
      }) : () -> ()
    } else {
    }
    %scan3A = arith.constant 0 : i32
    %scan3A_7 = arith.constant 0 : i32
    %scan3A_8 = arith.constant 16 : i32
    %scan3A_9 = arith.addi %scan3A_7, %scan3A_8 : i32
    %scan3A_10 = arith.constant 1 : i32
    %scan3A_11 = scf.for %scan3A_62 = %scan3A_7 to %scan3A_9 step %scan3A_10 iter_args(%scan3A_63 = %scan3A) -> (i32)  : i32 {
      %mul3A_64 = arith.constant 16 : i32
      %mul3A_65 = arith.muli %scan3A_62, %mul3A_64 : i32
      %add3A_66 = arith.addi %mul3A_65, %arg1 : i32
      %lt3A = arith.constant 250 : i32
      %lt3A_67 = arith.cmpi slt, %add3A_66, %lt3A : i32
      %convert_element_type3A_68 = arith.extui %lt3A_67 : i1 to i32
      %cond3A_69 = arith.constant 0 : i32
      %cond3A_70 = arith.cmpi ne, %convert_element_type3A_68, %cond3A_69 : i32
      scf.if %cond3A_70 {
        %mul3A_72 = arith.constant 512 : i32
        %mul3A_73 = arith.muli %add3A_66, %mul3A_72 : i32
        "tpu.region"() ({
          %run_scoped3A = tpu.sem_alloc : memref<!tpu.dma_semaphore, #tpu.memory_space<semaphore_mem>>
          %dma_start3A = tpu.memref_slice %arg4[%mul3A_73] : memref<128000xf32, #tpu.memory_space<hbm>> -> memref<512xf32, #tpu.memory_space<hbm>>
          %dma_start3A_81 = tpu.memref_slice %arg4[%mul3A_73] : memref<128000xf32, #tpu.memory_space<hbm>> -> memref<512xf32, #tpu.memory_space<hbm>>
          tpu.enqueue_dma source(%dma_start3A_81 : memref<512xf32, #tpu.memory_space<hbm>>) target(%arg16 : memref<512xf32, #tpu.memory_space<vmem>>) target_semaphore(%run_scoped3A : memref<!tpu.dma_semaphore, #tpu.memory_space<semaphore_mem>>)
          %dma_wait3A = tpu.memref_slice %arg4[%mul3A_73] : memref<128000xf32, #tpu.memory_space<hbm>> -> memref<512xf32, #tpu.memory_space<hbm>>
          %dma_wait3A_82 = tpu.memref_slice %arg4[%mul3A_73] : memref<128000xf32, #tpu.memory_space<hbm>> -> memref<512xf32, #tpu.memory_space<hbm>>
          tpu.wait_dma2 semaphore(%run_scoped3A : memref<!tpu.dma_semaphore, #tpu.memory_space<semaphore_mem>>) src(%dma_wait3A_82 : memref<512xf32, #tpu.memory_space<hbm>>) dst(%arg16 : memref<512xf32, #tpu.memory_space<vmem>>)
          tpu.yield
        }) : () -> ()
        %scan3A_74 = arith.constant 0 : i32
        %scan3A_75 = arith.constant 0 : i32
        %scan3A_76 = arith.constant 32 : i32
        %scan3A_77 = arith.addi %scan3A_75, %scan3A_76 : i32
        %scan3A_78 = arith.constant 1 : i32
        %scan3A_79 = scf.for %scan3A_81 = %scan3A_75 to %scan3A_77 step %scan3A_78 iter_args(%scan3A_82 = %scan3A_74) -> (i32)  : i32 {
          %mul3A_83 = arith.constant 16 : i32
          %mul3A_84 = arith.muli %scan3A_81, %mul3A_83 : i32
          %get3A = arith.index_cast %mul3A_84 : i32 to index
          %get3A_85 = tpu.vector_load %arg16[%get3A] {strides = array<i32>} : memref<512xf32, #tpu.memory_space<vmem>>, vector<16xf32>,
          %neg3A = arith.constant 0.000000e+00 : f32
          %neg3A_86 = vector.broadcast %neg3A : f32 to vector<16xf32>
          %neg3A_87 = arith.subf %neg3A_86, %get3A_85 : vector<16xf32>
          %exp3A = math.exp %neg3A_87 : vector<16xf32>
          %add3A_88 = arith.constant 1.000000e+00 : f32
          %add3A_89 = vector.broadcast %add3A_88 : f32 to vector<16xf32>
          %add3A_90 = arith.addf %add3A_89, %exp3A : vector<16xf32>
          %div3A = arith.constant 1.000000e+00 : f32
          %div3A_91 = vector.broadcast %div3A : f32 to vector<16xf32>
          %div3A_92 = arith.divf %div3A_91, %add3A_90 : vector<16xf32>
          %mul3A_93 = arith.constant 16 : i32
          %mul3A_94 = arith.muli %scan3A_81, %mul3A_93 : i32
          %swap3A_95 = arith.index_cast %mul3A_94 : i32 to index
          %swap3A_96 = tpu.vector_load %arg16[%swap3A_95] {strides = array<i32>} : memref<512xf32, #tpu.memory_space<vmem>>, vector<16xf32>,
          tpu.vector_store %arg16[%swap3A_95], %div3A_92 {strides = array<i32>} : memref<512xf32, #tpu.memory_space<vmem>>, vector<16xf32>,
          %scan3A_97 = arith.constant 0 : i32
          scf.yield %scan3A_97 : i32
        }
        %scan3A_80 = arith.constant 32 : i32
        "tpu.region"() ({
          %run_scoped3A = tpu.sem_alloc : memref<!tpu.dma_semaphore, #tpu.memory_space<semaphore_mem>>
          %dma_start3A = tpu.memref_slice %arg18[%mul3A_73] : memref<128000xf32, #tpu.memory_space<vmem_shared>> -> memref<512xf32, #tpu.memory_space<vmem_shared>>
          %dma_start3A_81 = tpu.memref_slice %arg18[%mul3A_73] : memref<128000xf32, #tpu.memory_space<vmem_shared>> -> memref<512xf32, #tpu.memory_space<vmem_shared>>
          tpu.enqueue_dma source(%arg16 : memref<512xf32, #tpu.memory_space<vmem>>) target(%dma_start3A_81 : memref<512xf32, #tpu.memory_space<vmem_shared>>) target_semaphore(%run_scoped3A : memref<!tpu.dma_semaphore, #tpu.memory_space<semaphore_mem>>)
          %dma_wait3A = tpu.memref_slice %arg18[%mul3A_73] : memref<128000xf32, #tpu.memory_space<vmem_shared>> -> memref<512xf32, #tpu.memory_space<vmem_shared>>
          %dma_wait3A_82 = tpu.memref_slice %arg18[%mul3A_73] : memref<128000xf32, #tpu.memory_space<vmem_shared>> -> memref<512xf32, #tpu.memory_space<vmem_shared>>
          tpu.wait_dma2 semaphore(%run_scoped3A : memref<!tpu.dma_semaphore, #tpu.memory_space<semaphore_mem>>) src(%arg16 : memref<512xf32, #tpu.memory_space<vmem>>) dst(%dma_wait3A_82 : memref<512xf32, #tpu.memory_space<vmem_shared>>)
          tpu.yield
        }) : () -> ()
      } else {
      }
      %scan3A_71 = arith.constant 0 : i32
      scf.yield %scan3A_71 : i32
    }
    %scan3A_12 = arith.constant 16 : i32
    %scan3A_13 = arith.constant 0 : i32
    %scan3A_14 = arith.constant 0 : i32
    %scan3A_15 = arith.constant 8 : i32
    %scan3A_16 = arith.addi %scan3A_14, %scan3A_15 : i32
    %scan3A_17 = arith.constant 1 : i32
    %scan3A_18 = scf.for %scan3A_62 = %scan3A_14 to %scan3A_16 step %scan3A_17 iter_args(%scan3A_63 = %scan3A_13) -> (i32)  : i32 {
      %mul3A_64 = arith.constant 16 : i32
      %mul3A_65 = arith.muli %scan3A_62, %mul3A_64 : i32
      %add3A_66 = arith.addi %mul3A_65, %arg1 : i32
      %lt3A = arith.constant 125 : i32
      %lt3A_67 = arith.cmpi slt, %add3A_66, %lt3A : i32
      %convert_element_type3A_68 = arith.extui %lt3A_67 : i1 to i32
      %cond3A_69 = arith.constant 0 : i32
      %cond3A_70 = arith.cmpi ne, %convert_element_type3A_68, %cond3A_69 : i32
      scf.if %cond3A_70 {
        %mul3A_72 = arith.constant 512 : i32
        %mul3A_73 = arith.muli %add3A_66, %mul3A_72 : i32
        "tpu.region"() ({
          %run_scoped3A = tpu.sem_alloc : memref<!tpu.dma_semaphore, #tpu.memory_space<semaphore_mem>>
          %dma_start3A = tpu.memref_slice %arg5[%mul3A_73] : memref<64000xf32, #tpu.memory_space<hbm>> -> memref<512xf32, #tpu.memory_space<hbm>>
          %dma_start3A_81 = tpu.memref_slice %arg5[%mul3A_73] : memref<64000xf32, #tpu.memory_space<hbm>> -> memref<512xf32, #tpu.memory_space<hbm>>
          tpu.enqueue_dma source(%dma_start3A_81 : memref<512xf32, #tpu.memory_space<hbm>>) target(%arg16 : memref<512xf32, #tpu.memory_space<vmem>>) target_semaphore(%run_scoped3A : memref<!tpu.dma_semaphore, #tpu.memory_space<semaphore_mem>>)
          %dma_wait3A = tpu.memref_slice %arg5[%mul3A_73] : memref<64000xf32, #tpu.memory_space<hbm>> -> memref<512xf32, #tpu.memory_space<hbm>>
          %dma_wait3A_82 = tpu.memref_slice %arg5[%mul3A_73] : memref<64000xf32, #tpu.memory_space<hbm>> -> memref<512xf32, #tpu.memory_space<hbm>>
          tpu.wait_dma2 semaphore(%run_scoped3A : memref<!tpu.dma_semaphore, #tpu.memory_space<semaphore_mem>>) src(%dma_wait3A_82 : memref<512xf32, #tpu.memory_space<hbm>>) dst(%arg16 : memref<512xf32, #tpu.memory_space<vmem>>)
          tpu.yield
        }) : () -> ()
        %scan3A_74 = arith.constant 0 : i32
        %scan3A_75 = arith.constant 0 : i32
        %scan3A_76 = arith.constant 32 : i32
        %scan3A_77 = arith.addi %scan3A_75, %scan3A_76 : i32
        %scan3A_78 = arith.constant 1 : i32
        %scan3A_79 = scf.for %scan3A_81 = %scan3A_75 to %scan3A_77 step %scan3A_78 iter_args(%scan3A_82 = %scan3A_74) -> (i32)  : i32 {
          %mul3A_83 = arith.constant 16 : i32
          %mul3A_84 = arith.muli %scan3A_81, %mul3A_83 : i32
          %get3A = arith.index_cast %mul3A_84 : i32 to index
          %get3A_85 = tpu.vector_load %arg16[%get3A] {strides = array<i32>} : memref<512xf32, #tpu.memory_space<vmem>>, vector<16xf32>,
          %neg3A = arith.constant 0.000000e+00 : f32
          %neg3A_86 = vector.broadcast %neg3A : f32 to vector<16xf32>
          %neg3A_87 = arith.subf %neg3A_86, %get3A_85 : vector<16xf32>
          %exp3A = math.exp %neg3A_87 : vector<16xf32>
          %add3A_88 = arith.constant 1.000000e+00 : f32
          %add3A_89 = vector.broadcast %add3A_88 : f32 to vector<16xf32>
          %add3A_90 = arith.addf %add3A_89, %exp3A : vector<16xf32>
          %div3A = arith.constant 1.000000e+00 : f32
          %div3A_91 = vector.broadcast %div3A : f32 to vector<16xf32>
          %div3A_92 = arith.divf %div3A_91, %add3A_90 : vector<16xf32>
          %mul3A_93 = arith.constant 16 : i32
          %mul3A_94 = arith.muli %scan3A_81, %mul3A_93 : i32
          %swap3A_95 = arith.index_cast %mul3A_94 : i32 to index
          %swap3A_96 = tpu.vector_load %arg16[%swap3A_95] {strides = array<i32>} : memref<512xf32, #tpu.memory_space<vmem>>, vector<16xf32>,
          tpu.vector_store %arg16[%swap3A_95], %div3A_92 {strides = array<i32>} : memref<512xf32, #tpu.memory_space<vmem>>, vector<16xf32>,
          %scan3A_97 = arith.constant 0 : i32
          scf.yield %scan3A_97 : i32
        }
        %scan3A_80 = arith.constant 32 : i32
        "tpu.region"() ({
          %run_scoped3A = tpu.sem_alloc : memref<!tpu.dma_semaphore, #tpu.memory_space<semaphore_mem>>
          %dma_start3A = tpu.memref_slice %arg19[%mul3A_73] : memref<64000xf32, #tpu.memory_space<vmem_shared>> -> memref<512xf32, #tpu.memory_space<vmem_shared>>
          %dma_start3A_81 = tpu.memref_slice %arg19[%mul3A_73] : memref<64000xf32, #tpu.memory_space<vmem_shared>> -> memref<512xf32, #tpu.memory_space<vmem_shared>>
          tpu.enqueue_dma source(%arg16 : memref<512xf32, #tpu.memory_space<vmem>>) target(%dma_start3A_81 : memref<512xf32, #tpu.memory_space<vmem_shared>>) target_semaphore(%run_scoped3A : memref<!tpu.dma_semaphore, #tpu.memory_space<semaphore_mem>>)
          %dma_wait3A = tpu.memref_slice %arg19[%mul3A_73] : memref<64000xf32, #tpu.memory_space<vmem_shared>> -> memref<512xf32, #tpu.memory_space<vmem_shared>>
          %dma_wait3A_82 = tpu.memref_slice %arg19[%mul3A_73] : memref<64000xf32, #tpu.memory_space<vmem_shared>> -> memref<512xf32, #tpu.memory_space<vmem_shared>>
          tpu.wait_dma2 semaphore(%run_scoped3A : memref<!tpu.dma_semaphore, #tpu.memory_space<semaphore_mem>>) src(%arg16 : memref<512xf32, #tpu.memory_space<vmem>>) dst(%dma_wait3A_82 : memref<512xf32, #tpu.memory_space<vmem_shared>>)
          tpu.yield
        }) : () -> ()
      } else {
      }
      %scan3A_71 = arith.constant 0 : i32
      scf.yield %scan3A_71 : i32
    }
    %scan3A_19 = arith.constant 8 : i32
    %barrier3A = arith.constant 0 : index
    tpu.barrier barrier_id(%barrier3A)
    %add3A_20 = arith.constant 0 : i32
    %add3A_21 = vector.broadcast %add3A_20 : i32 to vector<16xi32>
    %add3A_22 = arith.addi %iota3A, %add3A_21 : vector<16xi32>
    %mul3A_23 = arith.constant 784 : i32
    %mul3A_24 = vector.broadcast %mul3A_23 : i32 to vector<16xi32>
    %mul3A_25 = arith.muli %add3A_22, %mul3A_24 : vector<16xi32>
    %add3A_26 = arith.constant 16 : i32
    %add3A_27 = vector.broadcast %add3A_26 : i32 to vector<16xi32>
    %add3A_28 = arith.addi %iota3A, %add3A_27 : vector<16xi32>
    %mul3A_29 = arith.constant 784 : i32
    %mul3A_30 = vector.broadcast %mul3A_29 : i32 to vector<16xi32>
    %mul3A_31 = arith.muli %add3A_28, %mul3A_30 : vector<16xi32>
    %add3A_32 = arith.constant 0 : i32
    %add3A_33 = vector.broadcast %add3A_32 : i32 to vector<16xi32>
    %add3A_34 = arith.addi %iota3A, %add3A_33 : vector<16xi32>
    %add3A_35 = arith.constant 16 : i32
    %add3A_36 = vector.broadcast %add3A_35 : i32 to vector<16xi32>
    %add3A_37 = arith.addi %iota3A, %add3A_36 : vector<16xi32>
    %broadcast_in_dim3A = arith.constant 0 : i32
    %broadcast_in_dim3A_38 = vector.broadcast %broadcast_in_dim3A : i32 to vector<16xi32>
    %swap3A = arith.constant 600 : index
    %swap3A_39 = tpu.vector_load %arg11[%swap3A] {strides = array<i32>} : memref<616xi32, #tpu.memory_space<vmem>>, vector<16xi32>,
    tpu.vector_store %arg11[%swap3A], %broadcast_in_dim3A_38 {strides = array<i32>} : memref<616xi32, #tpu.memory_space<vmem>>, vector<16xi32>,
    %broadcast_in_dim3A_40 = arith.constant 0 : i32
    %broadcast_in_dim3A_41 = vector.broadcast %broadcast_in_dim3A_40 : i32 to vector<16xi32>
    %swap3A_42 = arith.constant 600 : index
    %swap3A_43 = tpu.vector_load %arg13[%swap3A_42] {strides = array<i32>} : memref<616xi32, #tpu.memory_space<vmem>>, vector<16xi32>,
    tpu.vector_store %arg13[%swap3A_42], %broadcast_in_dim3A_41 {strides = array<i32>} : memref<616xi32, #tpu.memory_space<vmem>>, vector<16xi32>,
    %scan3A_44 = arith.constant 0 : i32
    %scan3A_45 = arith.constant 0 : i32
    %scan3A_46 = arith.constant 20 : i32
    %scan3A_47 = arith.addi %scan3A_45, %scan3A_46 : i32
    %scan3A_48 = arith.constant 1 : i32
    %scan3A_49 = scf.for %scan3A_62 = %scan3A_45 to %scan3A_47 step %scan3A_48 iter_args(%scan3A_63 = %scan3A_44) -> (i32)  : i32 {
      %mul3A_64 = arith.constant 100 : i32
      %mul3A_65 = arith.muli %scan3A_62, %mul3A_64 : i32
      %mul3A_66 = arith.constant 64 : i32
      %mul3A_67 = arith.muli %mul3A_65, %mul3A_66 : i32
      %dma_start3A = tpu.memref_slice %arg18[%mul3A_67] : memref<128000xf32, #tpu.memory_space<vmem_shared>> -> memref<6400xf32, #tpu.memory_space<vmem_shared>>
      %dma_start3A_68 = tpu.memref_slice %arg18[%mul3A_67] : memref<128000xf32, #tpu.memory_space<vmem_shared>> -> memref<6400xf32, #tpu.memory_space<vmem_shared>>
      tpu.enqueue_dma source(%dma_start3A_68 : memref<6400xf32, #tpu.memory_space<vmem_shared>>) target(%arg14 : memref<6400xf32, #tpu.memory_space<vmem>>) target_semaphore(%arg22 : memref<!tpu.dma_semaphore, #tpu.memory_space<semaphore_mem>>)
      %mul3A_69 = arith.constant 100 : i32
      %mul3A_70 = arith.muli %scan3A_62, %mul3A_69 : i32
      %mul3A_71 = arith.constant 6 : i32
      %mul3A_72 = arith.muli %mul3A_70, %mul3A_71 : i32
      %dma_start3A_73 = arith.constant 0 : i32
      %dma_start3A_74 = tpu.memref_slice %arg11[%dma_start3A_73] : memref<616xi32, #tpu.memory_space<vmem>> -> memref<600xi32, #tpu.memory_space<vmem>>
      %dma_start3A_75 = tpu.memref_slice %arg20[%mul3A_72] : memref<12000xi32, #tpu.memory_space<vmem_shared>> -> memref<600xi32, #tpu.memory_space<vmem_shared>>
      %dma_start3A_76 = arith.constant 0 : i32
      %dma_start3A_77 = tpu.memref_slice %arg11[%dma_start3A_76] : memref<616xi32, #tpu.memory_space<vmem>> -> memref<600xi32, #tpu.memory_space<vmem>>
      %dma_start3A_78 = tpu.memref_slice %arg20[%mul3A_72] : memref<12000xi32, #tpu.memory_space<vmem_shared>> -> memref<600xi32, #tpu.memory_space<vmem_shared>>
      tpu.enqueue_dma source(%dma_start3A_78 : memref<600xi32, #tpu.memory_space<vmem_shared>>) target(%dma_start3A_77 : memref<600xi32, #tpu.memory_space<vmem>>) target_semaphore(%arg23 : memref<!tpu.dma_semaphore, #tpu.memory_space<semaphore_mem>>)
      %dma_wait3A = tpu.memref_slice %arg18[%mul3A_67] : memref<128000xf32, #tpu.memory_space<vmem_shared>> -> memref<6400xf32, #tpu.memory_space<vmem_shared>>
      %dma_wait3A_79 = tpu.memref_slice %arg18[%mul3A_67] : memref<128000xf32, #tpu.memory_space<vmem_shared>> -> memref<6400xf32, #tpu.memory_space<vmem_shared>>
      tpu.wait_dma2 semaphore(%arg22 : memref<!tpu.dma_semaphore, #tpu.memory_space<semaphore_mem>>) src(%dma_wait3A_79 : memref<6400xf32, #tpu.memory_space<vmem_shared>>) dst(%arg14 : memref<6400xf32, #tpu.memory_space<vmem>>)
      %dma_wait3A_80 = arith.constant 0 : i32
      %dma_wait3A_81 = tpu.memref_slice %arg11[%dma_wait3A_80] : memref<616xi32, #tpu.memory_space<vmem>> -> memref<600xi32, #tpu.memory_space<vmem>>
      %dma_wait3A_82 = tpu.memref_slice %arg20[%mul3A_72] : memref<12000xi32, #tpu.memory_space<vmem_shared>> -> memref<600xi32, #tpu.memory_space<vmem_shared>>
      %dma_wait3A_83 = arith.constant 0 : i32
      %dma_wait3A_84 = tpu.memref_slice %arg11[%dma_wait3A_83] : memref<616xi32, #tpu.memory_space<vmem>> -> memref<600xi32, #tpu.memory_space<vmem>>
      %dma_wait3A_85 = tpu.memref_slice %arg20[%mul3A_72] : memref<12000xi32, #tpu.memory_space<vmem_shared>> -> memref<600xi32, #tpu.memory_space<vmem_shared>>
      tpu.wait_dma2 semaphore(%arg23 : memref<!tpu.dma_semaphore, #tpu.memory_space<semaphore_mem>>) src(%dma_wait3A_85 : memref<600xi32, #tpu.memory_space<vmem_shared>>) dst(%dma_wait3A_84 : memref<600xi32, #tpu.memory_space<vmem>>)
      %scan3A_86 = arith.constant 0 : i32
      %scan3A_87 = arith.constant 0 : i32
      %scan3A_88 = arith.constant 100 : i32
      %scan3A_89 = arith.addi %scan3A_87, %scan3A_88 : i32
      %scan3A_90 = arith.constant 2 : i32
      %scan3A_91 = scf.for %scan3A_94 = %scan3A_87 to %scan3A_89 step %scan3A_90 iter_args(%scan3A_95 = %scan3A_86) -> (i32)  : i32 {
        %mul3A_96 = arith.constant 100 : i32
        %mul3A_97 = arith.muli %scan3A_62, %mul3A_96 : i32
        %add3A_98 = arith.addi %mul3A_97, %scan3A_94 : i32
        %mul3A_99 = arith.constant 6 : i32
        %mul3A_100 = arith.muli %scan3A_94, %mul3A_99 : i32
        %broadcast_in_dim3A_101 = vector.broadcast %mul3A_100 : i32 to vector<16xi32>
        %add3A_102 = arith.addi %broadcast_in_dim3A_101, %iota3A : vector<16xi32>
        %gather3A = tpu.vector_load_idx %arg11[%add3A_102] : memref<616xi32, #tpu.memory_space<vmem>>[vector<16xi32>], vector<16xi32>,
        %gather3A_103 = tpu.vector_load_idx %arg12[%gather3A] : memref<2352xf32, #tpu.memory_space<vmem>>[vector<16xi32>], vector<16xf32>,
        %mul3A_104 = arith.constant 21846 : i32
        %mul3A_105 = vector.broadcast %mul3A_104 : i32 to vector<16xi32>
        %mul3A_106 = arith.muli %gather3A, %mul3A_105 : vector<16xi32>
        %shift_right_logical3A = arith.constant 16 : i32
        %shift_right_logical3A_107 = vector.broadcast %shift_right_logical3A : i32 to vector<16xi32>
        %shift_right_logical3A_108 = arith.shrui %mul3A_106, %shift_right_logical3A_107 : vector<16xi32>
        %broadcast_in_dim3A_109 = arith.constant 0 : i32
        %broadcast_in_dim3A_110 = vector.broadcast %broadcast_in_dim3A_109 : i32 to vector<16xi32>
        %broadcast_in_dim3A_111 = arith.constant 0 : i32
        %broadcast_in_dim3A_112 = vector.broadcast %broadcast_in_dim3A_111 : i32 to vector<16xi32>
        %slice3A = vector.extract_strided_slice %shift_right_logical3A_108 {offsets = [0], sizes = [1], strides = [1]} : vector<16xi32> to vector<1xi32>
        %squeeze3A = vector.extract %slice3A[0] : i32 from vector<1xi32>
        %broadcast_in_dim3A_113 = vector.broadcast %squeeze3A : i32 to vector<16xi32>
        %slice3A_114 = vector.extract_strided_slice %gather3A_103 {offsets = [0], sizes = [1], strides = [1]} : vector<16xf32> to vector<1xf32>
        %squeeze3A_115 = vector.extract %slice3A_114[0] : f32 from vector<1xf32>
        %broadcast_in_dim3A_116 = vector.broadcast %squeeze3A_115 : f32 to vector<16xf32>
        %add3A_117 = arith.addi %mul3A_25, %broadcast_in_dim3A_113 : vector<16xi32>
        %gather3A_118 = tpu.vector_load_idx %arg9[%add3A_117] : memref<25088xf32, #tpu.memory_space<vmem>>[vector<16xi32>], vector<16xf32>,
        %gt3A = arith.cmpf ogt, %gather3A_118, %broadcast_in_dim3A_116 : vector<16xf32>
        %jit3A = arith.constant 1 : i32
        %jit3A_119 = arith.constant 0 : i32
        %broadcast_in_dim3A_120 = vector.broadcast %jit3A : i32 to vector<16xi32>
        %broadcast_in_dim3A_121 = vector.broadcast %jit3A_119 : i32 to vector<16xi32>
        %select_n3A = arith.select %gt3A, %broadcast_in_dim3A_120, %broadcast_in_dim3A_121 : vector<16xi1>, vector<16xi32>
        %add3A_122 = arith.addi %broadcast_in_dim3A_110, %select_n3A : vector<16xi32>
        %add3A_123 = arith.addi %mul3A_31, %broadcast_in_dim3A_113 : vector<16xi32>
        %gather3A_124 = tpu.vector_load_idx %arg9[%add3A_123] : memref<25088xf32, #tpu.memory_space<vmem>>[vector<16xi32>], vector<16xf32>,
        %gt3A_125 = arith.cmpf ogt, %gather3A_124, %broadcast_in_dim3A_116 : vector<16xf32>
        %jit3A_126 = arith.constant 1 : i32
        %jit3A_127 = arith.constant 0 : i32
        %broadcast_in_dim3A_128 = vector.broadcast %jit3A_126 : i32 to vector<16xi32>
        %broadcast_in_dim3A_129 = vector.broadcast %jit3A_127 : i32 to vector<16xi32>
        %select_n3A_130 = arith.select %gt3A_125, %broadcast_in_dim3A_128, %broadcast_in_dim3A_129 : vector<16xi1>, vector<16xi32>
        %add3A_131 = arith.addi %broadcast_in_dim3A_112, %select_n3A_130 : vector<16xi32>
        %slice3A_132 = vector.extract_strided_slice %shift_right_logical3A_108 {offsets = [1], sizes = [1], strides = [1]} : vector<16xi32> to vector<1xi32>
        %squeeze3A_133 = vector.extract %slice3A_132[0] : i32 from vector<1xi32>
        %broadcast_in_dim3A_134 = vector.broadcast %squeeze3A_133 : i32 to vector<16xi32>
        %slice3A_135 = vector.extract_strided_slice %gather3A_103 {offsets = [1], sizes = [1], strides = [1]} : vector<16xf32> to vector<1xf32>
        %squeeze3A_136 = vector.extract %slice3A_135[0] : f32 from vector<1xf32>
        %broadcast_in_dim3A_137 = vector.broadcast %squeeze3A_136 : f32 to vector<16xf32>
        %add3A_138 = arith.addi %mul3A_25, %broadcast_in_dim3A_134 : vector<16xi32>
        %gather3A_139 = tpu.vector_load_idx %arg9[%add3A_138] : memref<25088xf32, #tpu.memory_space<vmem>>[vector<16xi32>], vector<16xf32>,
        %gt3A_140 = arith.cmpf ogt, %gather3A_139, %broadcast_in_dim3A_137 : vector<16xf32>
        %jit3A_141 = arith.constant 2 : i32
        %jit3A_142 = arith.constant 0 : i32
        %broadcast_in_dim3A_143 = vector.broadcast %jit3A_141 : i32 to vector<16xi32>
        %broadcast_in_dim3A_144 = vector.broadcast %jit3A_142 : i32 to vector<16xi32>
        %select_n3A_145 = arith.select %gt3A_140, %broadcast_in_dim3A_143, %broadcast_in_dim3A_144 : vector<16xi1>, vector<16xi32>
        %add3A_146 = arith.addi %add3A_122, %select_n3A_145 : vector<16xi32>
        %add3A_147 = arith.addi %mul3A_31, %broadcast_in_dim3A_134 : vector<16xi32>
        %gather3A_148 = tpu.vector_load_idx %arg9[%add3A_147] : memref<25088xf32, #tpu.memory_space<vmem>>[vector<16xi32>], vector<16xf32>,
        %gt3A_149 = arith.cmpf ogt, %gather3A_148, %broadcast_in_dim3A_137 : vector<16xf32>
        %jit3A_150 = arith.constant 2 : i32
        %jit3A_151 = arith.constant 0 : i32
        %broadcast_in_dim3A_152 = vector.broadcast %jit3A_150 : i32 to vector<16xi32>
        %broadcast_in_dim3A_153 = vector.broadcast %jit3A_151 : i32 to vector<16xi32>
        %select_n3A_154 = arith.select %gt3A_149, %broadcast_in_dim3A_152, %broadcast_in_dim3A_153 : vector<16xi1>, vector<16xi32>
        %add3A_155 = arith.addi %add3A_131, %select_n3A_154 : vector<16xi32>
        %slice3A_156 = vector.extract_strided_slice %shift_right_logical3A_108 {offsets = [2], sizes = [1], strides = [1]} : vector<16xi32> to vector<1xi32>
        %squeeze3A_157 = vector.extract %slice3A_156[0] : i32 from vector<1xi32>
        %broadcast_in_dim3A_158 = vector.broadcast %squeeze3A_157 : i32 to vector<16xi32>
        %slice3A_159 = vector.extract_strided_slice %gather3A_103 {offsets = [2], sizes = [1], strides = [1]} : vector<16xf32> to vector<1xf32>
        %squeeze3A_160 = vector.extract %slice3A_159[0] : f32 from vector<1xf32>
        %broadcast_in_dim3A_161 = vector.broadcast %squeeze3A_160 : f32 to vector<16xf32>
        %add3A_162 = arith.addi %mul3A_25, %broadcast_in_dim3A_158 : vector<16xi32>
        %gather3A_163 = tpu.vector_load_idx %arg9[%add3A_162] : memref<25088xf32, #tpu.memory_space<vmem>>[vector<16xi32>], vector<16xf32>,
        %gt3A_164 = arith.cmpf ogt, %gather3A_163, %broadcast_in_dim3A_161 : vector<16xf32>
        %jit3A_165 = arith.constant 4 : i32
        %jit3A_166 = arith.constant 0 : i32
        %broadcast_in_dim3A_167 = vector.broadcast %jit3A_165 : i32 to vector<16xi32>
        %broadcast_in_dim3A_168 = vector.broadcast %jit3A_166 : i32 to vector<16xi32>
        %select_n3A_169 = arith.select %gt3A_164, %broadcast_in_dim3A_167, %broadcast_in_dim3A_168 : vector<16xi1>, vector<16xi32>
        %add3A_170 = arith.addi %add3A_146, %select_n3A_169 : vector<16xi32>
        %add3A_171 = arith.addi %mul3A_31, %broadcast_in_dim3A_158 : vector<16xi32>
        %gather3A_172 = tpu.vector_load_idx %arg9[%add3A_171] : memref<25088xf32, #tpu.memory_space<vmem>>[vector<16xi32>], vector<16xf32>,
        %gt3A_173 = arith.cmpf ogt, %gather3A_172, %broadcast_in_dim3A_161 : vector<16xf32>
        %jit3A_174 = arith.constant 4 : i32
        %jit3A_175 = arith.constant 0 : i32
        %broadcast_in_dim3A_176 = vector.broadcast %jit3A_174 : i32 to vector<16xi32>
        %broadcast_in_dim3A_177 = vector.broadcast %jit3A_175 : i32 to vector<16xi32>
        %select_n3A_178 = arith.select %gt3A_173, %broadcast_in_dim3A_176, %broadcast_in_dim3A_177 : vector<16xi1>, vector<16xi32>
        %add3A_179 = arith.addi %add3A_155, %select_n3A_178 : vector<16xi32>
        %slice3A_180 = vector.extract_strided_slice %shift_right_logical3A_108 {offsets = [3], sizes = [1], strides = [1]} : vector<16xi32> to vector<1xi32>
        %squeeze3A_181 = vector.extract %slice3A_180[0] : i32 from vector<1xi32>
        %broadcast_in_dim3A_182 = vector.broadcast %squeeze3A_181 : i32 to vector<16xi32>
        %slice3A_183 = vector.extract_strided_slice %gather3A_103 {offsets = [3], sizes = [1], strides = [1]} : vector<16xf32> to vector<1xf32>
        %squeeze3A_184 = vector.extract %slice3A_183[0] : f32 from vector<1xf32>
        %broadcast_in_dim3A_185 = vector.broadcast %squeeze3A_184 : f32 to vector<16xf32>
        %add3A_186 = arith.addi %mul3A_25, %broadcast_in_dim3A_182 : vector<16xi32>
        %gather3A_187 = tpu.vector_load_idx %arg9[%add3A_186] : memref<25088xf32, #tpu.memory_space<vmem>>[vector<16xi32>], vector<16xf32>,
        %gt3A_188 = arith.cmpf ogt, %gather3A_187, %broadcast_in_dim3A_185 : vector<16xf32>
        %jit3A_189 = arith.constant 8 : i32
        %jit3A_190 = arith.constant 0 : i32
        %broadcast_in_dim3A_191 = vector.broadcast %jit3A_189 : i32 to vector<16xi32>
        %broadcast_in_dim3A_192 = vector.broadcast %jit3A_190 : i32 to vector<16xi32>
        %select_n3A_193 = arith.select %gt3A_188, %broadcast_in_dim3A_191, %broadcast_in_dim3A_192 : vector<16xi1>, vector<16xi32>
        %add3A_194 = arith.addi %add3A_170, %select_n3A_193 : vector<16xi32>
        %add3A_195 = arith.addi %mul3A_31, %broadcast_in_dim3A_182 : vector<16xi32>
        %gather3A_196 = tpu.vector_load_idx %arg9[%add3A_195] : memref<25088xf32, #tpu.memory_space<vmem>>[vector<16xi32>], vector<16xf32>,
        %gt3A_197 = arith.cmpf ogt, %gather3A_196, %broadcast_in_dim3A_185 : vector<16xf32>
        %jit3A_198 = arith.constant 8 : i32
        %jit3A_199 = arith.constant 0 : i32
        %broadcast_in_dim3A_200 = vector.broadcast %jit3A_198 : i32 to vector<16xi32>
        %broadcast_in_dim3A_201 = vector.broadcast %jit3A_199 : i32 to vector<16xi32>
        %select_n3A_202 = arith.select %gt3A_197, %broadcast_in_dim3A_200, %broadcast_in_dim3A_201 : vector<16xi1>, vector<16xi32>
        %add3A_203 = arith.addi %add3A_179, %select_n3A_202 : vector<16xi32>
        %slice3A_204 = vector.extract_strided_slice %shift_right_logical3A_108 {offsets = [4], sizes = [1], strides = [1]} : vector<16xi32> to vector<1xi32>
        %squeeze3A_205 = vector.extract %slice3A_204[0] : i32 from vector<1xi32>
        %broadcast_in_dim3A_206 = vector.broadcast %squeeze3A_205 : i32 to vector<16xi32>
        %slice3A_207 = vector.extract_strided_slice %gather3A_103 {offsets = [4], sizes = [1], strides = [1]} : vector<16xf32> to vector<1xf32>
        %squeeze3A_208 = vector.extract %slice3A_207[0] : f32 from vector<1xf32>
        %broadcast_in_dim3A_209 = vector.broadcast %squeeze3A_208 : f32 to vector<16xf32>
        %add3A_210 = arith.addi %mul3A_25, %broadcast_in_dim3A_206 : vector<16xi32>
        %gather3A_211 = tpu.vector_load_idx %arg9[%add3A_210] : memref<25088xf32, #tpu.memory_space<vmem>>[vector<16xi32>], vector<16xf32>,
        %gt3A_212 = arith.cmpf ogt, %gather3A_211, %broadcast_in_dim3A_209 : vector<16xf32>
        %jit3A_213 = arith.constant 16 : i32
        %jit3A_214 = arith.constant 0 : i32
        %broadcast_in_dim3A_215 = vector.broadcast %jit3A_213 : i32 to vector<16xi32>
        %broadcast_in_dim3A_216 = vector.broadcast %jit3A_214 : i32 to vector<16xi32>
        %select_n3A_217 = arith.select %gt3A_212, %broadcast_in_dim3A_215, %broadcast_in_dim3A_216 : vector<16xi1>, vector<16xi32>
        %add3A_218 = arith.addi %add3A_194, %select_n3A_217 : vector<16xi32>
        %add3A_219 = arith.addi %mul3A_31, %broadcast_in_dim3A_206 : vector<16xi32>
        %gather3A_220 = tpu.vector_load_idx %arg9[%add3A_219] : memref<25088xf32, #tpu.memory_space<vmem>>[vector<16xi32>], vector<16xf32>,
        %gt3A_221 = arith.cmpf ogt, %gather3A_220, %broadcast_in_dim3A_209 : vector<16xf32>
        %jit3A_222 = arith.constant 16 : i32
        %jit3A_223 = arith.constant 0 : i32
        %broadcast_in_dim3A_224 = vector.broadcast %jit3A_222 : i32 to vector<16xi32>
        %broadcast_in_dim3A_225 = vector.broadcast %jit3A_223 : i32 to vector<16xi32>
        %select_n3A_226 = arith.select %gt3A_221, %broadcast_in_dim3A_224, %broadcast_in_dim3A_225 : vector<16xi1>, vector<16xi32>
        %add3A_227 = arith.addi %add3A_203, %select_n3A_226 : vector<16xi32>
        %slice3A_228 = vector.extract_strided_slice %shift_right_logical3A_108 {offsets = [5], sizes = [1], strides = [1]} : vector<16xi32> to vector<1xi32>
        %squeeze3A_229 = vector.extract %slice3A_228[0] : i32 from vector<1xi32>
        %broadcast_in_dim3A_230 = vector.broadcast %squeeze3A_229 : i32 to vector<16xi32>
        %slice3A_231 = vector.extract_strided_slice %gather3A_103 {offsets = [5], sizes = [1], strides = [1]} : vector<16xf32> to vector<1xf32>
        %squeeze3A_232 = vector.extract %slice3A_231[0] : f32 from vector<1xf32>
        %broadcast_in_dim3A_233 = vector.broadcast %squeeze3A_232 : f32 to vector<16xf32>
        %add3A_234 = arith.addi %mul3A_25, %broadcast_in_dim3A_230 : vector<16xi32>
        %gather3A_235 = tpu.vector_load_idx %arg9[%add3A_234] : memref<25088xf32, #tpu.memory_space<vmem>>[vector<16xi32>], vector<16xf32>,
        %gt3A_236 = arith.cmpf ogt, %gather3A_235, %broadcast_in_dim3A_233 : vector<16xf32>
        %jit3A_237 = arith.constant 32 : i32
        %jit3A_238 = arith.constant 0 : i32
        %broadcast_in_dim3A_239 = vector.broadcast %jit3A_237 : i32 to vector<16xi32>
        %broadcast_in_dim3A_240 = vector.broadcast %jit3A_238 : i32 to vector<16xi32>
        %select_n3A_241 = arith.select %gt3A_236, %broadcast_in_dim3A_239, %broadcast_in_dim3A_240 : vector<16xi1>, vector<16xi32>
        %add3A_242 = arith.addi %add3A_218, %select_n3A_241 : vector<16xi32>
        %add3A_243 = arith.addi %mul3A_31, %broadcast_in_dim3A_230 : vector<16xi32>
        %gather3A_244 = tpu.vector_load_idx %arg9[%add3A_243] : memref<25088xf32, #tpu.memory_space<vmem>>[vector<16xi32>], vector<16xf32>,
        %gt3A_245 = arith.cmpf ogt, %gather3A_244, %broadcast_in_dim3A_233 : vector<16xf32>
        %jit3A_246 = arith.constant 32 : i32
        %jit3A_247 = arith.constant 0 : i32
        %broadcast_in_dim3A_248 = vector.broadcast %jit3A_246 : i32 to vector<16xi32>
        %broadcast_in_dim3A_249 = vector.broadcast %jit3A_247 : i32 to vector<16xi32>
        %select_n3A_250 = arith.select %gt3A_245, %broadcast_in_dim3A_248, %broadcast_in_dim3A_249 : vector<16xi1>, vector<16xi32>
        %add3A_251 = arith.addi %add3A_227, %select_n3A_250 : vector<16xi32>
        %mul3A_252 = arith.constant 64 : i32
        %mul3A_253 = arith.muli %scan3A_94, %mul3A_252 : i32
        %broadcast_in_dim3A_254 = vector.broadcast %mul3A_253 : i32 to vector<16xi32>
        %add3A_255 = arith.addi %broadcast_in_dim3A_254, %add3A_242 : vector<16xi32>
        %gather3A_256 = tpu.vector_load_idx %arg14[%add3A_255] : memref<6400xf32, #tpu.memory_space<vmem>>[vector<16xi32>], vector<16xf32>,
        %mul3A_257 = arith.constant 32 : i32
        %mul3A_258 = arith.muli %add3A_98, %mul3A_257 : i32
        %add3A_259 = arith.constant 0 : i32
        %add3A_260 = arith.addi %mul3A_258, %add3A_259 : i32
        %swap3A_261 = arith.index_cast %add3A_260 : i32 to index
        %swap3A_262 = tpu.vector_load %arg10[%swap3A_261] {strides = array<i32>} : memref<64000xf32, #tpu.memory_space<vmem>>, vector<16xf32>,
        tpu.vector_store %arg10[%swap3A_261], %gather3A_256 {strides = array<i32>} : memref<64000xf32, #tpu.memory_space<vmem>>, vector<16xf32>,
        %add3A_263 = arith.addi %broadcast_in_dim3A_254, %add3A_251 : vector<16xi32>
        %gather3A_264 = tpu.vector_load_idx %arg14[%add3A_263] : memref<6400xf32, #tpu.memory_space<vmem>>[vector<16xi32>], vector<16xf32>,
        %mul3A_265 = arith.constant 32 : i32
        %mul3A_266 = arith.muli %add3A_98, %mul3A_265 : i32
        %add3A_267 = arith.constant 16 : i32
        %add3A_268 = arith.addi %mul3A_266, %add3A_267 : i32
        %swap3A_269 = arith.index_cast %add3A_268 : i32 to index
        %swap3A_270 = tpu.vector_load %arg10[%swap3A_269] {strides = array<i32>} : memref<64000xf32, #tpu.memory_space<vmem>>, vector<16xf32>,
        tpu.vector_store %arg10[%swap3A_269], %gather3A_264 {strides = array<i32>} : memref<64000xf32, #tpu.memory_space<vmem>>, vector<16xf32>,
        %scan3A_271 = arith.constant 0 : i32
        %scan3A_272 = arith.constant 1 : i32
        %scan3A_273 = arith.addi %scan3A_94, %scan3A_272 : i32
        %mul3A_274 = arith.constant 100 : i32
        %mul3A_275 = arith.muli %scan3A_62, %mul3A_274 : i32
        %add3A_276 = arith.addi %mul3A_275, %scan3A_273 : i32
        %mul3A_277 = arith.constant 6 : i32
        %mul3A_278 = arith.muli %scan3A_273, %mul3A_277 : i32
        %broadcast_in_dim3A_279 = vector.broadcast %mul3A_278 : i32 to vector<16xi32>
        %add3A_280 = arith.addi %broadcast_in_dim3A_279, %iota3A : vector<16xi32>
        %gather3A_281 = tpu.vector_load_idx %arg11[%add3A_280] : memref<616xi32, #tpu.memory_space<vmem>>[vector<16xi32>], vector<16xi32>,
        %gather3A_282 = tpu.vector_load_idx %arg12[%gather3A_281] : memref<2352xf32, #tpu.memory_space<vmem>>[vector<16xi32>], vector<16xf32>,
        %mul3A_283 = arith.constant 21846 : i32
        %mul3A_284 = vector.broadcast %mul3A_283 : i32 to vector<16xi32>
        %mul3A_285 = arith.muli %gather3A_281, %mul3A_284 : vector<16xi32>
        %shift_right_logical3A_286 = arith.constant 16 : i32
        %shift_right_logical3A_287 = vector.broadcast %shift_right_logical3A_286 : i32 to vector<16xi32>
        %shift_right_logical3A_288 = arith.shrui %mul3A_285, %shift_right_logical3A_287 : vector<16xi32>
        %broadcast_in_dim3A_289 = arith.constant 0 : i32
        %broadcast_in_dim3A_290 = vector.broadcast %broadcast_in_dim3A_289 : i32 to vector<16xi32>
        %broadcast_in_dim3A_291 = arith.constant 0 : i32
        %broadcast_in_dim3A_292 = vector.broadcast %broadcast_in_dim3A_291 : i32 to vector<16xi32>
        %slice3A_293 = vector.extract_strided_slice %shift_right_logical3A_288 {offsets = [0], sizes = [1], strides = [1]} : vector<16xi32> to vector<1xi32>
        %squeeze3A_294 = vector.extract %slice3A_293[0] : i32 from vector<1xi32>
        %broadcast_in_dim3A_295 = vector.broadcast %squeeze3A_294 : i32 to vector<16xi32>
        %slice3A_296 = vector.extract_strided_slice %gather3A_282 {offsets = [0], sizes = [1], strides = [1]} : vector<16xf32> to vector<1xf32>
        %squeeze3A_297 = vector.extract %slice3A_296[0] : f32 from vector<1xf32>
        %broadcast_in_dim3A_298 = vector.broadcast %squeeze3A_297 : f32 to vector<16xf32>
        %add3A_299 = arith.addi %mul3A_25, %broadcast_in_dim3A_295 : vector<16xi32>
        %gather3A_300 = tpu.vector_load_idx %arg9[%add3A_299] : memref<25088xf32, #tpu.memory_space<vmem>>[vector<16xi32>], vector<16xf32>,
        %gt3A_301 = arith.cmpf ogt, %gather3A_300, %broadcast_in_dim3A_298 : vector<16xf32>
        %jit3A_302 = arith.constant 1 : i32
        %jit3A_303 = arith.constant 0 : i32
        %broadcast_in_dim3A_304 = vector.broadcast %jit3A_302 : i32 to vector<16xi32>
        %broadcast_in_dim3A_305 = vector.broadcast %jit3A_303 : i32 to vector<16xi32>
        %select_n3A_306 = arith.select %gt3A_301, %broadcast_in_dim3A_304, %broadcast_in_dim3A_305 : vector<16xi1>, vector<16xi32>
        %add3A_307 = arith.addi %broadcast_in_dim3A_290, %select_n3A_306 : vector<16xi32>
        %add3A_308 = arith.addi %mul3A_31, %broadcast_in_dim3A_295 : vector<16xi32>
        %gather3A_309 = tpu.vector_load_idx %arg9[%add3A_308] : memref<25088xf32, #tpu.memory_space<vmem>>[vector<16xi32>], vector<16xf32>,
        %gt3A_310 = arith.cmpf ogt, %gather3A_309, %broadcast_in_dim3A_298 : vector<16xf32>
        %jit3A_311 = arith.constant 1 : i32
        %jit3A_312 = arith.constant 0 : i32
        %broadcast_in_dim3A_313 = vector.broadcast %jit3A_311 : i32 to vector<16xi32>
        %broadcast_in_dim3A_314 = vector.broadcast %jit3A_312 : i32 to vector<16xi32>
        %select_n3A_315 = arith.select %gt3A_310, %broadcast_in_dim3A_313, %broadcast_in_dim3A_314 : vector<16xi1>, vector<16xi32>
        %add3A_316 = arith.addi %broadcast_in_dim3A_292, %select_n3A_315 : vector<16xi32>
        %slice3A_317 = vector.extract_strided_slice %shift_right_logical3A_288 {offsets = [1], sizes = [1], strides = [1]} : vector<16xi32> to vector<1xi32>
        %squeeze3A_318 = vector.extract %slice3A_317[0] : i32 from vector<1xi32>
        %broadcast_in_dim3A_319 = vector.broadcast %squeeze3A_318 : i32 to vector<16xi32>
        %slice3A_320 = vector.extract_strided_slice %gather3A_282 {offsets = [1], sizes = [1], strides = [1]} : vector<16xf32> to vector<1xf32>
        %squeeze3A_321 = vector.extract %slice3A_320[0] : f32 from vector<1xf32>
        %broadcast_in_dim3A_322 = vector.broadcast %squeeze3A_321 : f32 to vector<16xf32>
        %add3A_323 = arith.addi %mul3A_25, %broadcast_in_dim3A_319 : vector<16xi32>
        %gather3A_324 = tpu.vector_load_idx %arg9[%add3A_323] : memref<25088xf32, #tpu.memory_space<vmem>>[vector<16xi32>], vector<16xf32>,
        %gt3A_325 = arith.cmpf ogt, %gather3A_324, %broadcast_in_dim3A_322 : vector<16xf32>
        %jit3A_326 = arith.constant 2 : i32
        %jit3A_327 = arith.constant 0 : i32
        %broadcast_in_dim3A_328 = vector.broadcast %jit3A_326 : i32 to vector<16xi32>
        %broadcast_in_dim3A_329 = vector.broadcast %jit3A_327 : i32 to vector<16xi32>
        %select_n3A_330 = arith.select %gt3A_325, %broadcast_in_dim3A_328, %broadcast_in_dim3A_329 : vector<16xi1>, vector<16xi32>
        %add3A_331 = arith.addi %add3A_307, %select_n3A_330 : vector<16xi32>
        %add3A_332 = arith.addi %mul3A_31, %broadcast_in_dim3A_319 : vector<16xi32>
        %gather3A_333 = tpu.vector_load_idx %arg9[%add3A_332] : memref<25088xf32, #tpu.memory_space<vmem>>[vector<16xi32>], vector<16xf32>,
        %gt3A_334 = arith.cmpf ogt, %gather3A_333, %broadcast_in_dim3A_322 : vector<16xf32>
        %jit3A_335 = arith.constant 2 : i32
        %jit3A_336 = arith.constant 0 : i32
        %broadcast_in_dim3A_337 = vector.broadcast %jit3A_335 : i32 to vector<16xi32>
        %broadcast_in_dim3A_338 = vector.broadcast %jit3A_336 : i32 to vector<16xi32>
        %select_n3A_339 = arith.select %gt3A_334, %broadcast_in_dim3A_337, %broadcast_in_dim3A_338 : vector<16xi1>, vector<16xi32>
        %add3A_340 = arith.addi %add3A_316, %select_n3A_339 : vector<16xi32>
        %slice3A_341 = vector.extract_strided_slice %shift_right_logical3A_288 {offsets = [2], sizes = [1], strides = [1]} : vector<16xi32> to vector<1xi32>
        %squeeze3A_342 = vector.extract %slice3A_341[0] : i32 from vector<1xi32>
        %broadcast_in_dim3A_343 = vector.broadcast %squeeze3A_342 : i32 to vector<16xi32>
        %slice3A_344 = vector.extract_strided_slice %gather3A_282 {offsets = [2], sizes = [1], strides = [1]} : vector<16xf32> to vector<1xf32>
        %squeeze3A_345 = vector.extract %slice3A_344[0] : f32 from vector<1xf32>
        %broadcast_in_dim3A_346 = vector.broadcast %squeeze3A_345 : f32 to vector<16xf32>
        %add3A_347 = arith.addi %mul3A_25, %broadcast_in_dim3A_343 : vector<16xi32>
        %gather3A_348 = tpu.vector_load_idx %arg9[%add3A_347] : memref<25088xf32, #tpu.memory_space<vmem>>[vector<16xi32>], vector<16xf32>,
        %gt3A_349 = arith.cmpf ogt, %gather3A_348, %broadcast_in_dim3A_346 : vector<16xf32>
        %jit3A_350 = arith.constant 4 : i32
        %jit3A_351 = arith.constant 0 : i32
        %broadcast_in_dim3A_352 = vector.broadcast %jit3A_350 : i32 to vector<16xi32>
        %broadcast_in_dim3A_353 = vector.broadcast %jit3A_351 : i32 to vector<16xi32>
        %select_n3A_354 = arith.select %gt3A_349, %broadcast_in_dim3A_352, %broadcast_in_dim3A_353 : vector<16xi1>, vector<16xi32>
        %add3A_355 = arith.addi %add3A_331, %select_n3A_354 : vector<16xi32>
        %add3A_356 = arith.addi %mul3A_31, %broadcast_in_dim3A_343 : vector<16xi32>
        %gather3A_357 = tpu.vector_load_idx %arg9[%add3A_356] : memref<25088xf32, #tpu.memory_space<vmem>>[vector<16xi32>], vector<16xf32>,
        %gt3A_358 = arith.cmpf ogt, %gather3A_357, %broadcast_in_dim3A_346 : vector<16xf32>
        %jit3A_359 = arith.constant 4 : i32
        %jit3A_360 = arith.constant 0 : i32
        %broadcast_in_dim3A_361 = vector.broadcast %jit3A_359 : i32 to vector<16xi32>
        %broadcast_in_dim3A_362 = vector.broadcast %jit3A_360 : i32 to vector<16xi32>
        %select_n3A_363 = arith.select %gt3A_358, %broadcast_in_dim3A_361, %broadcast_in_dim3A_362 : vector<16xi1>, vector<16xi32>
        %add3A_364 = arith.addi %add3A_340, %select_n3A_363 : vector<16xi32>
        %slice3A_365 = vector.extract_strided_slice %shift_right_logical3A_288 {offsets = [3], sizes = [1], strides = [1]} : vector<16xi32> to vector<1xi32>
        %squeeze3A_366 = vector.extract %slice3A_365[0] : i32 from vector<1xi32>
        %broadcast_in_dim3A_367 = vector.broadcast %squeeze3A_366 : i32 to vector<16xi32>
        %slice3A_368 = vector.extract_strided_slice %gather3A_282 {offsets = [3], sizes = [1], strides = [1]} : vector<16xf32> to vector<1xf32>
        %squeeze3A_369 = vector.extract %slice3A_368[0] : f32 from vector<1xf32>
        %broadcast_in_dim3A_370 = vector.broadcast %squeeze3A_369 : f32 to vector<16xf32>
        %add3A_371 = arith.addi %mul3A_25, %broadcast_in_dim3A_367 : vector<16xi32>
        %gather3A_372 = tpu.vector_load_idx %arg9[%add3A_371] : memref<25088xf32, #tpu.memory_space<vmem>>[vector<16xi32>], vector<16xf32>,
        %gt3A_373 = arith.cmpf ogt, %gather3A_372, %broadcast_in_dim3A_370 : vector<16xf32>
        %jit3A_374 = arith.constant 8 : i32
        %jit3A_375 = arith.constant 0 : i32
        %broadcast_in_dim3A_376 = vector.broadcast %jit3A_374 : i32 to vector<16xi32>
        %broadcast_in_dim3A_377 = vector.broadcast %jit3A_375 : i32 to vector<16xi32>
        %select_n3A_378 = arith.select %gt3A_373, %broadcast_in_dim3A_376, %broadcast_in_dim3A_377 : vector<16xi1>, vector<16xi32>
        %add3A_379 = arith.addi %add3A_355, %select_n3A_378 : vector<16xi32>
        %add3A_380 = arith.addi %mul3A_31, %broadcast_in_dim3A_367 : vector<16xi32>
        %gather3A_381 = tpu.vector_load_idx %arg9[%add3A_380] : memref<25088xf32, #tpu.memory_space<vmem>>[vector<16xi32>], vector<16xf32>,
        %gt3A_382 = arith.cmpf ogt, %gather3A_381, %broadcast_in_dim3A_370 : vector<16xf32>
        %jit3A_383 = arith.constant 8 : i32
        %jit3A_384 = arith.constant 0 : i32
        %broadcast_in_dim3A_385 = vector.broadcast %jit3A_383 : i32 to vector<16xi32>
        %broadcast_in_dim3A_386 = vector.broadcast %jit3A_384 : i32 to vector<16xi32>
        %select_n3A_387 = arith.select %gt3A_382, %broadcast_in_dim3A_385, %broadcast_in_dim3A_386 : vector<16xi1>, vector<16xi32>
        %add3A_388 = arith.addi %add3A_364, %select_n3A_387 : vector<16xi32>
        %slice3A_389 = vector.extract_strided_slice %shift_right_logical3A_288 {offsets = [4], sizes = [1], strides = [1]} : vector<16xi32> to vector<1xi32>
        %squeeze3A_390 = vector.extract %slice3A_389[0] : i32 from vector<1xi32>
        %broadcast_in_dim3A_391 = vector.broadcast %squeeze3A_390 : i32 to vector<16xi32>
        %slice3A_392 = vector.extract_strided_slice %gather3A_282 {offsets = [4], sizes = [1], strides = [1]} : vector<16xf32> to vector<1xf32>
        %squeeze3A_393 = vector.extract %slice3A_392[0] : f32 from vector<1xf32>
        %broadcast_in_dim3A_394 = vector.broadcast %squeeze3A_393 : f32 to vector<16xf32>
        %add3A_395 = arith.addi %mul3A_25, %broadcast_in_dim3A_391 : vector<16xi32>
        %gather3A_396 = tpu.vector_load_idx %arg9[%add3A_395] : memref<25088xf32, #tpu.memory_space<vmem>>[vector<16xi32>], vector<16xf32>,
        %gt3A_397 = arith.cmpf ogt, %gather3A_396, %broadcast_in_dim3A_394 : vector<16xf32>
        %jit3A_398 = arith.constant 16 : i32
        %jit3A_399 = arith.constant 0 : i32
        %broadcast_in_dim3A_400 = vector.broadcast %jit3A_398 : i32 to vector<16xi32>
        %broadcast_in_dim3A_401 = vector.broadcast %jit3A_399 : i32 to vector<16xi32>
        %select_n3A_402 = arith.select %gt3A_397, %broadcast_in_dim3A_400, %broadcast_in_dim3A_401 : vector<16xi1>, vector<16xi32>
        %add3A_403 = arith.addi %add3A_379, %select_n3A_402 : vector<16xi32>
        %add3A_404 = arith.addi %mul3A_31, %broadcast_in_dim3A_391 : vector<16xi32>
        %gather3A_405 = tpu.vector_load_idx %arg9[%add3A_404] : memref<25088xf32, #tpu.memory_space<vmem>>[vector<16xi32>], vector<16xf32>,
        %gt3A_406 = arith.cmpf ogt, %gather3A_405, %broadcast_in_dim3A_394 : vector<16xf32>
        %jit3A_407 = arith.constant 16 : i32
        %jit3A_408 = arith.constant 0 : i32
        %broadcast_in_dim3A_409 = vector.broadcast %jit3A_407 : i32 to vector<16xi32>
        %broadcast_in_dim3A_410 = vector.broadcast %jit3A_408 : i32 to vector<16xi32>
        %select_n3A_411 = arith.select %gt3A_406, %broadcast_in_dim3A_409, %broadcast_in_dim3A_410 : vector<16xi1>, vector<16xi32>
        %add3A_412 = arith.addi %add3A_388, %select_n3A_411 : vector<16xi32>
        %slice3A_413 = vector.extract_strided_slice %shift_right_logical3A_288 {offsets = [5], sizes = [1], strides = [1]} : vector<16xi32> to vector<1xi32>
        %squeeze3A_414 = vector.extract %slice3A_413[0] : i32 from vector<1xi32>
        %broadcast_in_dim3A_415 = vector.broadcast %squeeze3A_414 : i32 to vector<16xi32>
        %slice3A_416 = vector.extract_strided_slice %gather3A_282 {offsets = [5], sizes = [1], strides = [1]} : vector<16xf32> to vector<1xf32>
        %squeeze3A_417 = vector.extract %slice3A_416[0] : f32 from vector<1xf32>
        %broadcast_in_dim3A_418 = vector.broadcast %squeeze3A_417 : f32 to vector<16xf32>
        %add3A_419 = arith.addi %mul3A_25, %broadcast_in_dim3A_415 : vector<16xi32>
        %gather3A_420 = tpu.vector_load_idx %arg9[%add3A_419] : memref<25088xf32, #tpu.memory_space<vmem>>[vector<16xi32>], vector<16xf32>,
        %gt3A_421 = arith.cmpf ogt, %gather3A_420, %broadcast_in_dim3A_418 : vector<16xf32>
        %jit3A_422 = arith.constant 32 : i32
        %jit3A_423 = arith.constant 0 : i32
        %broadcast_in_dim3A_424 = vector.broadcast %jit3A_422 : i32 to vector<16xi32>
        %broadcast_in_dim3A_425 = vector.broadcast %jit3A_423 : i32 to vector<16xi32>
        %select_n3A_426 = arith.select %gt3A_421, %broadcast_in_dim3A_424, %broadcast_in_dim3A_425 : vector<16xi1>, vector<16xi32>
        %add3A_427 = arith.addi %add3A_403, %select_n3A_426 : vector<16xi32>
        %add3A_428 = arith.addi %mul3A_31, %broadcast_in_dim3A_415 : vector<16xi32>
        %gather3A_429 = tpu.vector_load_idx %arg9[%add3A_428] : memref<25088xf32, #tpu.memory_space<vmem>>[vector<16xi32>], vector<16xf32>,
        %gt3A_430 = arith.cmpf ogt, %gather3A_429, %broadcast_in_dim3A_418 : vector<16xf32>
        %jit3A_431 = arith.constant 32 : i32
        %jit3A_432 = arith.constant 0 : i32
        %broadcast_in_dim3A_433 = vector.broadcast %jit3A_431 : i32 to vector<16xi32>
        %broadcast_in_dim3A_434 = vector.broadcast %jit3A_432 : i32 to vector<16xi32>
        %select_n3A_435 = arith.select %gt3A_430, %broadcast_in_dim3A_433, %broadcast_in_dim3A_434 : vector<16xi1>, vector<16xi32>
        %add3A_436 = arith.addi %add3A_412, %select_n3A_435 : vector<16xi32>
        %mul3A_437 = arith.constant 64 : i32
        %mul3A_438 = arith.muli %scan3A_273, %mul3A_437 : i32
        %broadcast_in_dim3A_439 = vector.broadcast %mul3A_438 : i32 to vector<16xi32>
        %add3A_440 = arith.addi %broadcast_in_dim3A_439, %add3A_427 : vector<16xi32>
        %gather3A_441 = tpu.vector_load_idx %arg14[%add3A_440] : memref<6400xf32, #tpu.memory_space<vmem>>[vector<16xi32>], vector<16xf32>,
        %mul3A_442 = arith.constant 32 : i32
        %mul3A_443 = arith.muli %add3A_276, %mul3A_442 : i32
        %add3A_444 = arith.constant 0 : i32
        %add3A_445 = arith.addi %mul3A_443, %add3A_444 : i32
        %swap3A_446 = arith.index_cast %add3A_445 : i32 to index
        %swap3A_447 = tpu.vector_load %arg10[%swap3A_446] {strides = array<i32>} : memref<64000xf32, #tpu.memory_space<vmem>>, vector<16xf32>,
        tpu.vector_store %arg10[%swap3A_446], %gather3A_441 {strides = array<i32>} : memref<64000xf32, #tpu.memory_space<vmem>>, vector<16xf32>,
        %add3A_448 = arith.addi %broadcast_in_dim3A_439, %add3A_436 : vector<16xi32>
        %gather3A_449 = tpu.vector_load_idx %arg14[%add3A_448] : memref<6400xf32, #tpu.memory_space<vmem>>[vector<16xi32>], vector<16xf32>,
        %mul3A_450 = arith.constant 32 : i32
        %mul3A_451 = arith.muli %add3A_276, %mul3A_450 : i32
        %add3A_452 = arith.constant 16 : i32
        %add3A_453 = arith.addi %mul3A_451, %add3A_452 : i32
        %swap3A_454 = arith.index_cast %add3A_453 : i32 to index
        %swap3A_455 = tpu.vector_load %arg10[%swap3A_454] {strides = array<i32>} : memref<64000xf32, #tpu.memory_space<vmem>>, vector<16xf32>,
        tpu.vector_store %arg10[%swap3A_454], %gather3A_449 {strides = array<i32>} : memref<64000xf32, #tpu.memory_space<vmem>>, vector<16xf32>,
        %scan3A_456 = arith.constant 0 : i32
        scf.yield %scan3A_456 : i32
      }
      %scan3A_92 = arith.constant 100 : i32
      %scan3A_93 = arith.constant 0 : i32
      scf.yield %scan3A_93 : i32
    }
    %scan3A_50 = arith.constant 20 : i32
    %scan3A_51 = arith.constant 0 : i32
    %scan3A_52 = arith.constant 0 : i32
    %scan3A_53 = arith.constant 10 : i32
    %scan3A_54 = arith.addi %scan3A_52, %scan3A_53 : i32
    %scan3A_55 = arith.constant 1 : i32
    %scan3A_56 = scf.for %scan3A_62 = %scan3A_52 to %scan3A_54 step %scan3A_55 iter_args(%scan3A_63 = %scan3A_51) -> (i32)  : i32 {
      %mul3A_64 = arith.constant 100 : i32
      %mul3A_65 = arith.muli %scan3A_62, %mul3A_64 : i32
      %mul3A_66 = arith.constant 64 : i32
      %mul3A_67 = arith.muli %mul3A_65, %mul3A_66 : i32
      %dma_start3A = arith.constant 0 : i32
      %dma_start3A_68 = tpu.memref_slice %arg15[%dma_start3A] : memref<6416xf32, #tpu.memory_space<vmem>> -> memref<6400xf32, #tpu.memory_space<vmem>>
      %dma_start3A_69 = tpu.memref_slice %arg19[%mul3A_67] : memref<64000xf32, #tpu.memory_space<vmem_shared>> -> memref<6400xf32, #tpu.memory_space<vmem_shared>>
      %dma_start3A_70 = arith.constant 0 : i32
      %dma_start3A_71 = tpu.memref_slice %arg15[%dma_start3A_70] : memref<6416xf32, #tpu.memory_space<vmem>> -> memref<6400xf32, #tpu.memory_space<vmem>>
      %dma_start3A_72 = tpu.memref_slice %arg19[%mul3A_67] : memref<64000xf32, #tpu.memory_space<vmem_shared>> -> memref<6400xf32, #tpu.memory_space<vmem_shared>>
      tpu.enqueue_dma source(%dma_start3A_72 : memref<6400xf32, #tpu.memory_space<vmem_shared>>) target(%dma_start3A_71 : memref<6400xf32, #tpu.memory_space<vmem>>) target_semaphore(%arg22 : memref<!tpu.dma_semaphore, #tpu.memory_space<semaphore_mem>>)
      %mul3A_73 = arith.constant 100 : i32
      %mul3A_74 = arith.muli %scan3A_62, %mul3A_73 : i32
      %mul3A_75 = arith.constant 6 : i32
      %mul3A_76 = arith.muli %mul3A_74, %mul3A_75 : i32
      %dma_start3A_77 = arith.constant 0 : i32
      %dma_start3A_78 = tpu.memref_slice %arg13[%dma_start3A_77] : memref<616xi32, #tpu.memory_space<vmem>> -> memref<600xi32, #tpu.memory_space<vmem>>
      %dma_start3A_79 = tpu.memref_slice %arg21[%mul3A_76] : memref<6000xi32, #tpu.memory_space<vmem_shared>> -> memref<600xi32, #tpu.memory_space<vmem_shared>>
      %dma_start3A_80 = arith.constant 0 : i32
      %dma_start3A_81 = tpu.memref_slice %arg13[%dma_start3A_80] : memref<616xi32, #tpu.memory_space<vmem>> -> memref<600xi32, #tpu.memory_space<vmem>>
      %dma_start3A_82 = tpu.memref_slice %arg21[%mul3A_76] : memref<6000xi32, #tpu.memory_space<vmem_shared>> -> memref<600xi32, #tpu.memory_space<vmem_shared>>
      tpu.enqueue_dma source(%dma_start3A_82 : memref<600xi32, #tpu.memory_space<vmem_shared>>) target(%dma_start3A_81 : memref<600xi32, #tpu.memory_space<vmem>>) target_semaphore(%arg23 : memref<!tpu.dma_semaphore, #tpu.memory_space<semaphore_mem>>)
      %dma_wait3A = arith.constant 0 : i32
      %dma_wait3A_83 = tpu.memref_slice %arg15[%dma_wait3A] : memref<6416xf32, #tpu.memory_space<vmem>> -> memref<6400xf32, #tpu.memory_space<vmem>>
      %dma_wait3A_84 = tpu.memref_slice %arg19[%mul3A_67] : memref<64000xf32, #tpu.memory_space<vmem_shared>> -> memref<6400xf32, #tpu.memory_space<vmem_shared>>
      %dma_wait3A_85 = arith.constant 0 : i32
      %dma_wait3A_86 = tpu.memref_slice %arg15[%dma_wait3A_85] : memref<6416xf32, #tpu.memory_space<vmem>> -> memref<6400xf32, #tpu.memory_space<vmem>>
      %dma_wait3A_87 = tpu.memref_slice %arg19[%mul3A_67] : memref<64000xf32, #tpu.memory_space<vmem_shared>> -> memref<6400xf32, #tpu.memory_space<vmem_shared>>
      tpu.wait_dma2 semaphore(%arg22 : memref<!tpu.dma_semaphore, #tpu.memory_space<semaphore_mem>>) src(%dma_wait3A_87 : memref<6400xf32, #tpu.memory_space<vmem_shared>>) dst(%dma_wait3A_86 : memref<6400xf32, #tpu.memory_space<vmem>>)
      %dma_wait3A_88 = arith.constant 0 : i32
      %dma_wait3A_89 = tpu.memref_slice %arg13[%dma_wait3A_88] : memref<616xi32, #tpu.memory_space<vmem>> -> memref<600xi32, #tpu.memory_space<vmem>>
      %dma_wait3A_90 = tpu.memref_slice %arg21[%mul3A_76] : memref<6000xi32, #tpu.memory_space<vmem_shared>> -> memref<600xi32, #tpu.memory_space<vmem_shared>>
      %dma_wait3A_91 = arith.constant 0 : i32
      %dma_wait3A_92 = tpu.memref_slice %arg13[%dma_wait3A_91] : memref<616xi32, #tpu.memory_space<vmem>> -> memref<600xi32, #tpu.memory_space<vmem>>
      %dma_wait3A_93 = tpu.memref_slice %arg21[%mul3A_76] : memref<6000xi32, #tpu.memory_space<vmem_shared>> -> memref<600xi32, #tpu.memory_space<vmem_shared>>
      tpu.wait_dma2 semaphore(%arg23 : memref<!tpu.dma_semaphore, #tpu.memory_space<semaphore_mem>>) src(%dma_wait3A_93 : memref<600xi32, #tpu.memory_space<vmem_shared>>) dst(%dma_wait3A_92 : memref<600xi32, #tpu.memory_space<vmem>>)
      %broadcast_in_dim3A_94 = arith.constant 0.000000e+00 : f32
      %broadcast_in_dim3A_95 = vector.broadcast %broadcast_in_dim3A_94 : f32 to vector<16xf32>
      %broadcast_in_dim3A_96 = arith.constant 0.000000e+00 : f32
      %broadcast_in_dim3A_97 = vector.broadcast %broadcast_in_dim3A_96 : f32 to vector<16xf32>
      %scan3A_98 = arith.constant 0 : i32
      %scan3A_99 = arith.constant 100 : i32
      %scan3A_100 = arith.addi %scan3A_98, %scan3A_99 : i32
      %scan3A_101 = arith.constant 1 : i32
      %scan3A_102:2 = scf.for %scan3A_127 = %scan3A_98 to %scan3A_100 step %scan3A_101 iter_args(%scan3A_128 = %broadcast_in_dim3A_95, %scan3A_129 = %broadcast_in_dim3A_97) -> (vector<16xf32>, vector<16xf32>)  : i32 {
        %mul3A_130 = arith.constant 6 : i32
        %mul3A_131 = arith.muli %scan3A_127, %mul3A_130 : i32
        %broadcast_in_dim3A_132 = vector.broadcast %mul3A_131 : i32 to vector<16xi32>
        %add3A_133 = arith.addi %broadcast_in_dim3A_132, %iota3A : vector<16xi32>
        %gather3A = tpu.vector_load_idx %arg13[%add3A_133] : memref<616xi32, #tpu.memory_space<vmem>>[vector<16xi32>], vector<16xi32>,
        %mul3A_134 = arith.constant 32 : i32
        %mul3A_135 = vector.broadcast %mul3A_134 : i32 to vector<16xi32>
        %mul3A_136 = arith.muli %gather3A, %mul3A_135 : vector<16xi32>
        %slice3A = vector.extract_strided_slice %mul3A_136 {offsets = [0], sizes = [1], strides = [1]} : vector<16xi32> to vector<1xi32>
        %squeeze3A = vector.extract %slice3A[0] : i32 from vector<1xi32>
        %broadcast_in_dim3A_137 = vector.broadcast %squeeze3A : i32 to vector<16xi32>
        %add3A_138 = arith.addi %broadcast_in_dim3A_137, %add3A_34 : vector<16xi32>
        %gather3A_139 = tpu.vector_load_idx %arg10[%add3A_138] : memref<64000xf32, #tpu.memory_space<vmem>>[vector<16xi32>], vector<16xf32>,
        %add3A_140 = arith.addi %broadcast_in_dim3A_137, %add3A_37 : vector<16xi32>
        %gather3A_141 = tpu.vector_load_idx %arg10[%add3A_140] : memref<64000xf32, #tpu.memory_space<vmem>>[vector<16xi32>], vector<16xf32>,
        %pack3A = tpu.pack_subelements %gather3A_139, %gather3A_141 {pack_format = #tpu.pack_format<interleaved>, positions = array<i32: 0, 1>} : vector<16xf32>, vector<16xf32> -> vector<32xbf16>
        %slice3A_142 = vector.extract_strided_slice %mul3A_136 {offsets = [1], sizes = [1], strides = [1]} : vector<16xi32> to vector<1xi32>
        %squeeze3A_143 = vector.extract %slice3A_142[0] : i32 from vector<1xi32>
        %broadcast_in_dim3A_144 = vector.broadcast %squeeze3A_143 : i32 to vector<16xi32>
        %add3A_145 = arith.addi %broadcast_in_dim3A_144, %add3A_34 : vector<16xi32>
        %gather3A_146 = tpu.vector_load_idx %arg10[%add3A_145] : memref<64000xf32, #tpu.memory_space<vmem>>[vector<16xi32>], vector<16xf32>,
        %add3A_147 = arith.addi %broadcast_in_dim3A_144, %add3A_37 : vector<16xi32>
        %gather3A_148 = tpu.vector_load_idx %arg10[%add3A_147] : memref<64000xf32, #tpu.memory_space<vmem>>[vector<16xi32>], vector<16xf32>,
        %pack3A_149 = tpu.pack_subelements %gather3A_146, %gather3A_148 {pack_format = #tpu.pack_format<interleaved>, positions = array<i32: 0, 1>} : vector<16xf32>, vector<16xf32> -> vector<32xbf16>
        %slice3A_150 = vector.extract_strided_slice %mul3A_136 {offsets = [2], sizes = [1], strides = [1]} : vector<16xi32> to vector<1xi32>
        %squeeze3A_151 = vector.extract %slice3A_150[0] : i32 from vector<1xi32>
        %broadcast_in_dim3A_152 = vector.broadcast %squeeze3A_151 : i32 to vector<16xi32>
        %add3A_153 = arith.addi %broadcast_in_dim3A_152, %add3A_34 : vector<16xi32>
        %gather3A_154 = tpu.vector_load_idx %arg10[%add3A_153] : memref<64000xf32, #tpu.memory_space<vmem>>[vector<16xi32>], vector<16xf32>,
        %add3A_155 = arith.addi %broadcast_in_dim3A_152, %add3A_37 : vector<16xi32>
        %gather3A_156 = tpu.vector_load_idx %arg10[%add3A_155] : memref<64000xf32, #tpu.memory_space<vmem>>[vector<16xi32>], vector<16xf32>,
        %pack3A_157 = tpu.pack_subelements %gather3A_154, %gather3A_156 {pack_format = #tpu.pack_format<interleaved>, positions = array<i32: 0, 1>} : vector<16xf32>, vector<16xf32> -> vector<32xbf16>
        %slice3A_158 = vector.extract_strided_slice %mul3A_136 {offsets = [3], sizes = [1], strides = [1]} : vector<16xi32> to vector<1xi32>
        %squeeze3A_159 = vector.extract %slice3A_158[0] : i32 from vector<1xi32>
        %broadcast_in_dim3A_160 = vector.broadcast %squeeze3A_159 : i32 to vector<16xi32>
        %add3A_161 = arith.addi %broadcast_in_dim3A_160, %add3A_34 : vector<16xi32>
        %gather3A_162 = tpu.vector_load_idx %arg10[%add3A_161] : memref<64000xf32, #tpu.memory_space<vmem>>[vector<16xi32>], vector<16xf32>,
        %add3A_163 = arith.addi %broadcast_in_dim3A_160, %add3A_37 : vector<16xi32>
        %gather3A_164 = tpu.vector_load_idx %arg10[%add3A_163] : memref<64000xf32, #tpu.memory_space<vmem>>[vector<16xi32>], vector<16xf32>,
        %pack3A_165 = tpu.pack_subelements %gather3A_162, %gather3A_164 {pack_format = #tpu.pack_format<interleaved>, positions = array<i32: 0, 1>} : vector<16xf32>, vector<16xf32> -> vector<32xbf16>
        %slice3A_166 = vector.extract_strided_slice %mul3A_136 {offsets = [4], sizes = [1], strides = [1]} : vector<16xi32> to vector<1xi32>
        %squeeze3A_167 = vector.extract %slice3A_166[0] : i32 from vector<1xi32>
        %broadcast_in_dim3A_168 = vector.broadcast %squeeze3A_167 : i32 to vector<16xi32>
        %add3A_169 = arith.addi %broadcast_in_dim3A_168, %add3A_34 : vector<16xi32>
        %gather3A_170 = tpu.vector_load_idx %arg10[%add3A_169] : memref<64000xf32, #tpu.memory_space<vmem>>[vector<16xi32>], vector<16xf32>,
        %add3A_171 = arith.addi %broadcast_in_dim3A_168, %add3A_37 : vector<16xi32>
        %gather3A_172 = tpu.vector_load_idx %arg10[%add3A_171] : memref<64000xf32, #tpu.memory_space<vmem>>[vector<16xi32>], vector<16xf32>,
        %pack3A_173 = tpu.pack_subelements %gather3A_170, %gather3A_172 {pack_format = #tpu.pack_format<interleaved>, positions = array<i32: 0, 1>} : vector<16xf32>, vector<16xf32> -> vector<32xbf16>
        %slice3A_174 = vector.extract_strided_slice %mul3A_136 {offsets = [5], sizes = [1], strides = [1]} : vector<16xi32> to vector<1xi32>
        %squeeze3A_175 = vector.extract %slice3A_174[0] : i32 from vector<1xi32>
        %broadcast_in_dim3A_176 = vector.broadcast %squeeze3A_175 : i32 to vector<16xi32>
        %add3A_177 = arith.addi %broadcast_in_dim3A_176, %add3A_34 : vector<16xi32>
        %gather3A_178 = tpu.vector_load_idx %arg10[%add3A_177] : memref<64000xf32, #tpu.memory_space<vmem>>[vector<16xi32>], vector<16xf32>,
        %add3A_179 = arith.addi %broadcast_in_dim3A_176, %add3A_37 : vector<16xi32>
        %gather3A_180 = tpu.vector_load_idx %arg10[%add3A_179] : memref<64000xf32, #tpu.memory_space<vmem>>[vector<16xi32>], vector<16xf32>,
        %pack3A_181 = tpu.pack_subelements %gather3A_178, %gather3A_180 {pack_format = #tpu.pack_format<interleaved>, positions = array<i32: 0, 1>} : vector<16xf32>, vector<16xf32> -> vector<32xbf16>
        %mul3A_182 = arith.constant 64 : i32
        %mul3A_183 = arith.muli %scan3A_127, %mul3A_182 : i32
        %add3A_184 = arith.constant 0 : i32
        %add3A_185 = arith.addi %mul3A_183, %add3A_184 : i32
        %get3A = arith.index_cast %add3A_185 : i32 to index
        %get3A_186 = tpu.vector_load %arg15[%get3A] {strides = array<i32>} : memref<6416xf32, #tpu.memory_space<vmem>>, vector<16xf32>,
        %mul3A_187 = arith.constant 64 : i32
        %mul3A_188 = arith.muli %scan3A_127, %mul3A_187 : i32
        %add3A_189 = arith.constant 16 : i32
        %add3A_190 = arith.addi %mul3A_188, %add3A_189 : i32
        %get3A_191 = arith.index_cast %add3A_190 : i32 to index
        %get3A_192 = tpu.vector_load %arg15[%get3A_191] {strides = array<i32>} : memref<6416xf32, #tpu.memory_space<vmem>>, vector<16xf32>,
        %mul3A_193 = arith.constant 64 : i32
        %mul3A_194 = arith.muli %scan3A_127, %mul3A_193 : i32
        %add3A_195 = arith.constant 32 : i32
        %add3A_196 = arith.addi %mul3A_194, %add3A_195 : i32
        %get3A_197 = arith.index_cast %add3A_196 : i32 to index
        %get3A_198 = tpu.vector_load %arg15[%get3A_197] {strides = array<i32>} : memref<6416xf32, #tpu.memory_space<vmem>>, vector<16xf32>,
        %mul3A_199 = arith.constant 64 : i32
        %mul3A_200 = arith.muli %scan3A_127, %mul3A_199 : i32
        %add3A_201 = arith.constant 48 : i32
        %add3A_202 = arith.addi %mul3A_200, %add3A_201 : i32
        %get3A_203 = arith.index_cast %add3A_202 : i32 to index
        %get3A_204 = tpu.vector_load %arg15[%get3A_203] {strides = array<i32>} : memref<6416xf32, #tpu.memory_space<vmem>>, vector<16xf32>,
        %slice3A_205 = vector.extract_strided_slice %get3A_186 {offsets = [0], sizes = [1], strides = [1]} : vector<16xf32> to vector<1xf32>
        %squeeze3A_206 = vector.extract %slice3A_205[0] : f32 from vector<1xf32>
        %broadcast_in_dim3A_207 = vector.broadcast %squeeze3A_206 : f32 to vector<16xf32>
        %pack3A_208 = tpu.pack_subelements %broadcast_in_dim3A_207, %broadcast_in_dim3A_207 {pack_format = #tpu.pack_format<interleaved>, positions = array<i32: 0, 1>} : vector<16xf32>, vector<16xf32> -> vector<32xbf16>
        %slice3A_209 = vector.extract_strided_slice %get3A_186 {offsets = [1], sizes = [1], strides = [1]} : vector<16xf32> to vector<1xf32>
        %squeeze3A_210 = vector.extract %slice3A_209[0] : f32 from vector<1xf32>
        %broadcast_in_dim3A_211 = vector.broadcast %squeeze3A_210 : f32 to vector<16xf32>
        %pack3A_212 = tpu.pack_subelements %broadcast_in_dim3A_211, %broadcast_in_dim3A_211 {pack_format = #tpu.pack_format<interleaved>, positions = array<i32: 0, 1>} : vector<16xf32>, vector<16xf32> -> vector<32xbf16>
        %sub3A = arith.subf %pack3A_212, %pack3A_208 : vector<32xbf16>
        %mul3A_213 = arith.mulf %pack3A, %sub3A : vector<32xbf16>
        %add3A_214 = arith.addf %pack3A_208, %mul3A_213 : vector<32xbf16>
        %slice3A_215 = vector.extract_strided_slice %get3A_186 {offsets = [2], sizes = [1], strides = [1]} : vector<16xf32> to vector<1xf32>
        %squeeze3A_216 = vector.extract %slice3A_215[0] : f32 from vector<1xf32>
        %broadcast_in_dim3A_217 = vector.broadcast %squeeze3A_216 : f32 to vector<16xf32>
        %pack3A_218 = tpu.pack_subelements %broadcast_in_dim3A_217, %broadcast_in_dim3A_217 {pack_format = #tpu.pack_format<interleaved>, positions = array<i32: 0, 1>} : vector<16xf32>, vector<16xf32> -> vector<32xbf16>
        %slice3A_219 = vector.extract_strided_slice %get3A_186 {offsets = [3], sizes = [1], strides = [1]} : vector<16xf32> to vector<1xf32>
        %squeeze3A_220 = vector.extract %slice3A_219[0] : f32 from vector<1xf32>
        %broadcast_in_dim3A_221 = vector.broadcast %squeeze3A_220 : f32 to vector<16xf32>
        %pack3A_222 = tpu.pack_subelements %broadcast_in_dim3A_221, %broadcast_in_dim3A_221 {pack_format = #tpu.pack_format<interleaved>, positions = array<i32: 0, 1>} : vector<16xf32>, vector<16xf32> -> vector<32xbf16>
        %sub3A_223 = arith.subf %pack3A_222, %pack3A_218 : vector<32xbf16>
        %mul3A_224 = arith.mulf %pack3A, %sub3A_223 : vector<32xbf16>
        %add3A_225 = arith.addf %pack3A_218, %mul3A_224 : vector<32xbf16>
        %sub3A_226 = arith.subf %add3A_225, %add3A_214 : vector<32xbf16>
        %mul3A_227 = arith.mulf %pack3A_149, %sub3A_226 : vector<32xbf16>
        %add3A_228 = arith.addf %add3A_214, %mul3A_227 : vector<32xbf16>
        %slice3A_229 = vector.extract_strided_slice %get3A_186 {offsets = [4], sizes = [1], strides = [1]} : vector<16xf32> to vector<1xf32>
        %squeeze3A_230 = vector.extract %slice3A_229[0] : f32 from vector<1xf32>
        %broadcast_in_dim3A_231 = vector.broadcast %squeeze3A_230 : f32 to vector<16xf32>
        %pack3A_232 = tpu.pack_subelements %broadcast_in_dim3A_231, %broadcast_in_dim3A_231 {pack_format = #tpu.pack_format<interleaved>, positions = array<i32: 0, 1>} : vector<16xf32>, vector<16xf32> -> vector<32xbf16>
        %slice3A_233 = vector.extract_strided_slice %get3A_186 {offsets = [5], sizes = [1], strides = [1]} : vector<16xf32> to vector<1xf32>
        %squeeze3A_234 = vector.extract %slice3A_233[0] : f32 from vector<1xf32>
        %broadcast_in_dim3A_235 = vector.broadcast %squeeze3A_234 : f32 to vector<16xf32>
        %pack3A_236 = tpu.pack_subelements %broadcast_in_dim3A_235, %broadcast_in_dim3A_235 {pack_format = #tpu.pack_format<interleaved>, positions = array<i32: 0, 1>} : vector<16xf32>, vector<16xf32> -> vector<32xbf16>
        %sub3A_237 = arith.subf %pack3A_236, %pack3A_232 : vector<32xbf16>
        %mul3A_238 = arith.mulf %pack3A, %sub3A_237 : vector<32xbf16>
        %add3A_239 = arith.addf %pack3A_232, %mul3A_238 : vector<32xbf16>
        %slice3A_240 = vector.extract_strided_slice %get3A_186 {offsets = [6], sizes = [1], strides = [1]} : vector<16xf32> to vector<1xf32>
        %squeeze3A_241 = vector.extract %slice3A_240[0] : f32 from vector<1xf32>
        %broadcast_in_dim3A_242 = vector.broadcast %squeeze3A_241 : f32 to vector<16xf32>
        %pack3A_243 = tpu.pack_subelements %broadcast_in_dim3A_242, %broadcast_in_dim3A_242 {pack_format = #tpu.pack_format<interleaved>, positions = array<i32: 0, 1>} : vector<16xf32>, vector<16xf32> -> vector<32xbf16>
        %slice3A_244 = vector.extract_strided_slice %get3A_186 {offsets = [7], sizes = [1], strides = [1]} : vector<16xf32> to vector<1xf32>
        %squeeze3A_245 = vector.extract %slice3A_244[0] : f32 from vector<1xf32>
        %broadcast_in_dim3A_246 = vector.broadcast %squeeze3A_245 : f32 to vector<16xf32>
        %pack3A_247 = tpu.pack_subelements %broadcast_in_dim3A_246, %broadcast_in_dim3A_246 {pack_format = #tpu.pack_format<interleaved>, positions = array<i32: 0, 1>} : vector<16xf32>, vector<16xf32> -> vector<32xbf16>
        %sub3A_248 = arith.subf %pack3A_247, %pack3A_243 : vector<32xbf16>
        %mul3A_249 = arith.mulf %pack3A, %sub3A_248 : vector<32xbf16>
        %add3A_250 = arith.addf %pack3A_243, %mul3A_249 : vector<32xbf16>
        %sub3A_251 = arith.subf %add3A_250, %add3A_239 : vector<32xbf16>
        %mul3A_252 = arith.mulf %pack3A_149, %sub3A_251 : vector<32xbf16>
        %add3A_253 = arith.addf %add3A_239, %mul3A_252 : vector<32xbf16>
        %sub3A_254 = arith.subf %add3A_253, %add3A_228 : vector<32xbf16>
        %mul3A_255 = arith.mulf %pack3A_157, %sub3A_254 : vector<32xbf16>
        %add3A_256 = arith.addf %add3A_228, %mul3A_255 : vector<32xbf16>
        %slice3A_257 = vector.extract_strided_slice %get3A_186 {offsets = [8], sizes = [1], strides = [1]} : vector<16xf32> to vector<1xf32>
        %squeeze3A_258 = vector.extract %slice3A_257[0] : f32 from vector<1xf32>
        %broadcast_in_dim3A_259 = vector.broadcast %squeeze3A_258 : f32 to vector<16xf32>
        %pack3A_260 = tpu.pack_subelements %broadcast_in_dim3A_259, %broadcast_in_dim3A_259 {pack_format = #tpu.pack_format<interleaved>, positions = array<i32: 0, 1>} : vector<16xf32>, vector<16xf32> -> vector<32xbf16>
        %slice3A_261 = vector.extract_strided_slice %get3A_186 {offsets = [9], sizes = [1], strides = [1]} : vector<16xf32> to vector<1xf32>
        %squeeze3A_262 = vector.extract %slice3A_261[0] : f32 from vector<1xf32>
        %broadcast_in_dim3A_263 = vector.broadcast %squeeze3A_262 : f32 to vector<16xf32>
        %pack3A_264 = tpu.pack_subelements %broadcast_in_dim3A_263, %broadcast_in_dim3A_263 {pack_format = #tpu.pack_format<interleaved>, positions = array<i32: 0, 1>} : vector<16xf32>, vector<16xf32> -> vector<32xbf16>
        %sub3A_265 = arith.subf %pack3A_264, %pack3A_260 : vector<32xbf16>
        %mul3A_266 = arith.mulf %pack3A, %sub3A_265 : vector<32xbf16>
        %add3A_267 = arith.addf %pack3A_260, %mul3A_266 : vector<32xbf16>
        %slice3A_268 = vector.extract_strided_slice %get3A_186 {offsets = [10], sizes = [1], strides = [1]} : vector<16xf32> to vector<1xf32>
        %squeeze3A_269 = vector.extract %slice3A_268[0] : f32 from vector<1xf32>
        %broadcast_in_dim3A_270 = vector.broadcast %squeeze3A_269 : f32 to vector<16xf32>
        %pack3A_271 = tpu.pack_subelements %broadcast_in_dim3A_270, %broadcast_in_dim3A_270 {pack_format = #tpu.pack_format<interleaved>, positions = array<i32: 0, 1>} : vector<16xf32>, vector<16xf32> -> vector<32xbf16>
        %slice3A_272 = vector.extract_strided_slice %get3A_186 {offsets = [11], sizes = [1], strides = [1]} : vector<16xf32> to vector<1xf32>
        %squeeze3A_273 = vector.extract %slice3A_272[0] : f32 from vector<1xf32>
        %broadcast_in_dim3A_274 = vector.broadcast %squeeze3A_273 : f32 to vector<16xf32>
        %pack3A_275 = tpu.pack_subelements %broadcast_in_dim3A_274, %broadcast_in_dim3A_274 {pack_format = #tpu.pack_format<interleaved>, positions = array<i32: 0, 1>} : vector<16xf32>, vector<16xf32> -> vector<32xbf16>
        %sub3A_276 = arith.subf %pack3A_275, %pack3A_271 : vector<32xbf16>
        %mul3A_277 = arith.mulf %pack3A, %sub3A_276 : vector<32xbf16>
        %add3A_278 = arith.addf %pack3A_271, %mul3A_277 : vector<32xbf16>
        %sub3A_279 = arith.subf %add3A_278, %add3A_267 : vector<32xbf16>
        %mul3A_280 = arith.mulf %pack3A_149, %sub3A_279 : vector<32xbf16>
        %add3A_281 = arith.addf %add3A_267, %mul3A_280 : vector<32xbf16>
        %slice3A_282 = vector.extract_strided_slice %get3A_186 {offsets = [12], sizes = [1], strides = [1]} : vector<16xf32> to vector<1xf32>
        %squeeze3A_283 = vector.extract %slice3A_282[0] : f32 from vector<1xf32>
        %broadcast_in_dim3A_284 = vector.broadcast %squeeze3A_283 : f32 to vector<16xf32>
        %pack3A_285 = tpu.pack_subelements %broadcast_in_dim3A_284, %broadcast_in_dim3A_284 {pack_format = #tpu.pack_format<interleaved>, positions = array<i32: 0, 1>} : vector<16xf32>, vector<16xf32> -> vector<32xbf16>
        %slice3A_286 = vector.extract_strided_slice %get3A_186 {offsets = [13], sizes = [1], strides = [1]} : vector<16xf32> to vector<1xf32>
        %squeeze3A_287 = vector.extract %slice3A_286[0] : f32 from vector<1xf32>
        %broadcast_in_dim3A_288 = vector.broadcast %squeeze3A_287 : f32 to vector<16xf32>
        %pack3A_289 = tpu.pack_subelements %broadcast_in_dim3A_288, %broadcast_in_dim3A_288 {pack_format = #tpu.pack_format<interleaved>, positions = array<i32: 0, 1>} : vector<16xf32>, vector<16xf32> -> vector<32xbf16>
        %sub3A_290 = arith.subf %pack3A_289, %pack3A_285 : vector<32xbf16>
        %mul3A_291 = arith.mulf %pack3A, %sub3A_290 : vector<32xbf16>
        %add3A_292 = arith.addf %pack3A_285, %mul3A_291 : vector<32xbf16>
        %slice3A_293 = vector.extract_strided_slice %get3A_186 {offsets = [14], sizes = [1], strides = [1]} : vector<16xf32> to vector<1xf32>
        %squeeze3A_294 = vector.extract %slice3A_293[0] : f32 from vector<1xf32>
        %broadcast_in_dim3A_295 = vector.broadcast %squeeze3A_294 : f32 to vector<16xf32>
        %pack3A_296 = tpu.pack_subelements %broadcast_in_dim3A_295, %broadcast_in_dim3A_295 {pack_format = #tpu.pack_format<interleaved>, positions = array<i32: 0, 1>} : vector<16xf32>, vector<16xf32> -> vector<32xbf16>
        %slice3A_297 = vector.extract_strided_slice %get3A_186 {offsets = [15], sizes = [1], strides = [1]} : vector<16xf32> to vector<1xf32>
        %squeeze3A_298 = vector.extract %slice3A_297[0] : f32 from vector<1xf32>
        %broadcast_in_dim3A_299 = vector.broadcast %squeeze3A_298 : f32 to vector<16xf32>
        %pack3A_300 = tpu.pack_subelements %broadcast_in_dim3A_299, %broadcast_in_dim3A_299 {pack_format = #tpu.pack_format<interleaved>, positions = array<i32: 0, 1>} : vector<16xf32>, vector<16xf32> -> vector<32xbf16>
        %sub3A_301 = arith.subf %pack3A_300, %pack3A_296 : vector<32xbf16>
        %mul3A_302 = arith.mulf %pack3A, %sub3A_301 : vector<32xbf16>
        %add3A_303 = arith.addf %pack3A_296, %mul3A_302 : vector<32xbf16>
        %sub3A_304 = arith.subf %add3A_303, %add3A_292 : vector<32xbf16>
        %mul3A_305 = arith.mulf %pack3A_149, %sub3A_304 : vector<32xbf16>
        %add3A_306 = arith.addf %add3A_292, %mul3A_305 : vector<32xbf16>
        %sub3A_307 = arith.subf %add3A_306, %add3A_281 : vector<32xbf16>
        %mul3A_308 = arith.mulf %pack3A_157, %sub3A_307 : vector<32xbf16>
        %add3A_309 = arith.addf %add3A_281, %mul3A_308 : vector<32xbf16>
        %sub3A_310 = arith.subf %add3A_309, %add3A_256 : vector<32xbf16>
        %mul3A_311 = arith.mulf %pack3A_165, %sub3A_310 : vector<32xbf16>
        %add3A_312 = arith.addf %add3A_256, %mul3A_311 : vector<32xbf16>
        %slice3A_313 = vector.extract_strided_slice %get3A_192 {offsets = [0], sizes = [1], strides = [1]} : vector<16xf32> to vector<1xf32>
        %squeeze3A_314 = vector.extract %slice3A_313[0] : f32 from vector<1xf32>
        %broadcast_in_dim3A_315 = vector.broadcast %squeeze3A_314 : f32 to vector<16xf32>
        %pack3A_316 = tpu.pack_subelements %broadcast_in_dim3A_315, %broadcast_in_dim3A_315 {pack_format = #tpu.pack_format<interleaved>, positions = array<i32: 0, 1>} : vector<16xf32>, vector<16xf32> -> vector<32xbf16>
        %slice3A_317 = vector.extract_strided_slice %get3A_192 {offsets = [1], sizes = [1], strides = [1]} : vector<16xf32> to vector<1xf32>
        %squeeze3A_318 = vector.extract %slice3A_317[0] : f32 from vector<1xf32>
        %broadcast_in_dim3A_319 = vector.broadcast %squeeze3A_318 : f32 to vector<16xf32>
        %pack3A_320 = tpu.pack_subelements %broadcast_in_dim3A_319, %broadcast_in_dim3A_319 {pack_format = #tpu.pack_format<interleaved>, positions = array<i32: 0, 1>} : vector<16xf32>, vector<16xf32> -> vector<32xbf16>
        %sub3A_321 = arith.subf %pack3A_320, %pack3A_316 : vector<32xbf16>
        %mul3A_322 = arith.mulf %pack3A, %sub3A_321 : vector<32xbf16>
        %add3A_323 = arith.addf %pack3A_316, %mul3A_322 : vector<32xbf16>
        %slice3A_324 = vector.extract_strided_slice %get3A_192 {offsets = [2], sizes = [1], strides = [1]} : vector<16xf32> to vector<1xf32>
        %squeeze3A_325 = vector.extract %slice3A_324[0] : f32 from vector<1xf32>
        %broadcast_in_dim3A_326 = vector.broadcast %squeeze3A_325 : f32 to vector<16xf32>
        %pack3A_327 = tpu.pack_subelements %broadcast_in_dim3A_326, %broadcast_in_dim3A_326 {pack_format = #tpu.pack_format<interleaved>, positions = array<i32: 0, 1>} : vector<16xf32>, vector<16xf32> -> vector<32xbf16>
        %slice3A_328 = vector.extract_strided_slice %get3A_192 {offsets = [3], sizes = [1], strides = [1]} : vector<16xf32> to vector<1xf32>
        %squeeze3A_329 = vector.extract %slice3A_328[0] : f32 from vector<1xf32>
        %broadcast_in_dim3A_330 = vector.broadcast %squeeze3A_329 : f32 to vector<16xf32>
        %pack3A_331 = tpu.pack_subelements %broadcast_in_dim3A_330, %broadcast_in_dim3A_330 {pack_format = #tpu.pack_format<interleaved>, positions = array<i32: 0, 1>} : vector<16xf32>, vector<16xf32> -> vector<32xbf16>
        %sub3A_332 = arith.subf %pack3A_331, %pack3A_327 : vector<32xbf16>
        %mul3A_333 = arith.mulf %pack3A, %sub3A_332 : vector<32xbf16>
        %add3A_334 = arith.addf %pack3A_327, %mul3A_333 : vector<32xbf16>
        %sub3A_335 = arith.subf %add3A_334, %add3A_323 : vector<32xbf16>
        %mul3A_336 = arith.mulf %pack3A_149, %sub3A_335 : vector<32xbf16>
        %add3A_337 = arith.addf %add3A_323, %mul3A_336 : vector<32xbf16>
        %slice3A_338 = vector.extract_strided_slice %get3A_192 {offsets = [4], sizes = [1], strides = [1]} : vector<16xf32> to vector<1xf32>
        %squeeze3A_339 = vector.extract %slice3A_338[0] : f32 from vector<1xf32>
        %broadcast_in_dim3A_340 = vector.broadcast %squeeze3A_339 : f32 to vector<16xf32>
        %pack3A_341 = tpu.pack_subelements %broadcast_in_dim3A_340, %broadcast_in_dim3A_340 {pack_format = #tpu.pack_format<interleaved>, positions = array<i32: 0, 1>} : vector<16xf32>, vector<16xf32> -> vector<32xbf16>
        %slice3A_342 = vector.extract_strided_slice %get3A_192 {offsets = [5], sizes = [1], strides = [1]} : vector<16xf32> to vector<1xf32>
        %squeeze3A_343 = vector.extract %slice3A_342[0] : f32 from vector<1xf32>
        %broadcast_in_dim3A_344 = vector.broadcast %squeeze3A_343 : f32 to vector<16xf32>
        %pack3A_345 = tpu.pack_subelements %broadcast_in_dim3A_344, %broadcast_in_dim3A_344 {pack_format = #tpu.pack_format<interleaved>, positions = array<i32: 0, 1>} : vector<16xf32>, vector<16xf32> -> vector<32xbf16>
        %sub3A_346 = arith.subf %pack3A_345, %pack3A_341 : vector<32xbf16>
        %mul3A_347 = arith.mulf %pack3A, %sub3A_346 : vector<32xbf16>
        %add3A_348 = arith.addf %pack3A_341, %mul3A_347 : vector<32xbf16>
        %slice3A_349 = vector.extract_strided_slice %get3A_192 {offsets = [6], sizes = [1], strides = [1]} : vector<16xf32> to vector<1xf32>
        %squeeze3A_350 = vector.extract %slice3A_349[0] : f32 from vector<1xf32>
        %broadcast_in_dim3A_351 = vector.broadcast %squeeze3A_350 : f32 to vector<16xf32>
        %pack3A_352 = tpu.pack_subelements %broadcast_in_dim3A_351, %broadcast_in_dim3A_351 {pack_format = #tpu.pack_format<interleaved>, positions = array<i32: 0, 1>} : vector<16xf32>, vector<16xf32> -> vector<32xbf16>
        %slice3A_353 = vector.extract_strided_slice %get3A_192 {offsets = [7], sizes = [1], strides = [1]} : vector<16xf32> to vector<1xf32>
        %squeeze3A_354 = vector.extract %slice3A_353[0] : f32 from vector<1xf32>
        %broadcast_in_dim3A_355 = vector.broadcast %squeeze3A_354 : f32 to vector<16xf32>
        %pack3A_356 = tpu.pack_subelements %broadcast_in_dim3A_355, %broadcast_in_dim3A_355 {pack_format = #tpu.pack_format<interleaved>, positions = array<i32: 0, 1>} : vector<16xf32>, vector<16xf32> -> vector<32xbf16>
        %sub3A_357 = arith.subf %pack3A_356, %pack3A_352 : vector<32xbf16>
        %mul3A_358 = arith.mulf %pack3A, %sub3A_357 : vector<32xbf16>
        %add3A_359 = arith.addf %pack3A_352, %mul3A_358 : vector<32xbf16>
        %sub3A_360 = arith.subf %add3A_359, %add3A_348 : vector<32xbf16>
        %mul3A_361 = arith.mulf %pack3A_149, %sub3A_360 : vector<32xbf16>
        %add3A_362 = arith.addf %add3A_348, %mul3A_361 : vector<32xbf16>
        %sub3A_363 = arith.subf %add3A_362, %add3A_337 : vector<32xbf16>
        %mul3A_364 = arith.mulf %pack3A_157, %sub3A_363 : vector<32xbf16>
        %add3A_365 = arith.addf %add3A_337, %mul3A_364 : vector<32xbf16>
        %slice3A_366 = vector.extract_strided_slice %get3A_192 {offsets = [8], sizes = [1], strides = [1]} : vector<16xf32> to vector<1xf32>
        %squeeze3A_367 = vector.extract %slice3A_366[0] : f32 from vector<1xf32>
        %broadcast_in_dim3A_368 = vector.broadcast %squeeze3A_367 : f32 to vector<16xf32>
        %pack3A_369 = tpu.pack_subelements %broadcast_in_dim3A_368, %broadcast_in_dim3A_368 {pack_format = #tpu.pack_format<interleaved>, positions = array<i32: 0, 1>} : vector<16xf32>, vector<16xf32> -> vector<32xbf16>
        %slice3A_370 = vector.extract_strided_slice %get3A_192 {offsets = [9], sizes = [1], strides = [1]} : vector<16xf32> to vector<1xf32>
        %squeeze3A_371 = vector.extract %slice3A_370[0] : f32 from vector<1xf32>
        %broadcast_in_dim3A_372 = vector.broadcast %squeeze3A_371 : f32 to vector<16xf32>
        %pack3A_373 = tpu.pack_subelements %broadcast_in_dim3A_372, %broadcast_in_dim3A_372 {pack_format = #tpu.pack_format<interleaved>, positions = array<i32: 0, 1>} : vector<16xf32>, vector<16xf32> -> vector<32xbf16>
        %sub3A_374 = arith.subf %pack3A_373, %pack3A_369 : vector<32xbf16>
        %mul3A_375 = arith.mulf %pack3A, %sub3A_374 : vector<32xbf16>
        %add3A_376 = arith.addf %pack3A_369, %mul3A_375 : vector<32xbf16>
        %slice3A_377 = vector.extract_strided_slice %get3A_192 {offsets = [10], sizes = [1], strides = [1]} : vector<16xf32> to vector<1xf32>
        %squeeze3A_378 = vector.extract %slice3A_377[0] : f32 from vector<1xf32>
        %broadcast_in_dim3A_379 = vector.broadcast %squeeze3A_378 : f32 to vector<16xf32>
        %pack3A_380 = tpu.pack_subelements %broadcast_in_dim3A_379, %broadcast_in_dim3A_379 {pack_format = #tpu.pack_format<interleaved>, positions = array<i32: 0, 1>} : vector<16xf32>, vector<16xf32> -> vector<32xbf16>
        %slice3A_381 = vector.extract_strided_slice %get3A_192 {offsets = [11], sizes = [1], strides = [1]} : vector<16xf32> to vector<1xf32>
        %squeeze3A_382 = vector.extract %slice3A_381[0] : f32 from vector<1xf32>
        %broadcast_in_dim3A_383 = vector.broadcast %squeeze3A_382 : f32 to vector<16xf32>
        %pack3A_384 = tpu.pack_subelements %broadcast_in_dim3A_383, %broadcast_in_dim3A_383 {pack_format = #tpu.pack_format<interleaved>, positions = array<i32: 0, 1>} : vector<16xf32>, vector<16xf32> -> vector<32xbf16>
        %sub3A_385 = arith.subf %pack3A_384, %pack3A_380 : vector<32xbf16>
        %mul3A_386 = arith.mulf %pack3A, %sub3A_385 : vector<32xbf16>
        %add3A_387 = arith.addf %pack3A_380, %mul3A_386 : vector<32xbf16>
        %sub3A_388 = arith.subf %add3A_387, %add3A_376 : vector<32xbf16>
        %mul3A_389 = arith.mulf %pack3A_149, %sub3A_388 : vector<32xbf16>
        %add3A_390 = arith.addf %add3A_376, %mul3A_389 : vector<32xbf16>
        %slice3A_391 = vector.extract_strided_slice %get3A_192 {offsets = [12], sizes = [1], strides = [1]} : vector<16xf32> to vector<1xf32>
        %squeeze3A_392 = vector.extract %slice3A_391[0] : f32 from vector<1xf32>
        %broadcast_in_dim3A_393 = vector.broadcast %squeeze3A_392 : f32 to vector<16xf32>
        %pack3A_394 = tpu.pack_subelements %broadcast_in_dim3A_393, %broadcast_in_dim3A_393 {pack_format = #tpu.pack_format<interleaved>, positions = array<i32: 0, 1>} : vector<16xf32>, vector<16xf32> -> vector<32xbf16>
        %slice3A_395 = vector.extract_strided_slice %get3A_192 {offsets = [13], sizes = [1], strides = [1]} : vector<16xf32> to vector<1xf32>
        %squeeze3A_396 = vector.extract %slice3A_395[0] : f32 from vector<1xf32>
        %broadcast_in_dim3A_397 = vector.broadcast %squeeze3A_396 : f32 to vector<16xf32>
        %pack3A_398 = tpu.pack_subelements %broadcast_in_dim3A_397, %broadcast_in_dim3A_397 {pack_format = #tpu.pack_format<interleaved>, positions = array<i32: 0, 1>} : vector<16xf32>, vector<16xf32> -> vector<32xbf16>
        %sub3A_399 = arith.subf %pack3A_398, %pack3A_394 : vector<32xbf16>
        %mul3A_400 = arith.mulf %pack3A, %sub3A_399 : vector<32xbf16>
        %add3A_401 = arith.addf %pack3A_394, %mul3A_400 : vector<32xbf16>
        %slice3A_402 = vector.extract_strided_slice %get3A_192 {offsets = [14], sizes = [1], strides = [1]} : vector<16xf32> to vector<1xf32>
        %squeeze3A_403 = vector.extract %slice3A_402[0] : f32 from vector<1xf32>
        %broadcast_in_dim3A_404 = vector.broadcast %squeeze3A_403 : f32 to vector<16xf32>
        %pack3A_405 = tpu.pack_subelements %broadcast_in_dim3A_404, %broadcast_in_dim3A_404 {pack_format = #tpu.pack_format<interleaved>, positions = array<i32: 0, 1>} : vector<16xf32>, vector<16xf32> -> vector<32xbf16>
        %slice3A_406 = vector.extract_strided_slice %get3A_192 {offsets = [15], sizes = [1], strides = [1]} : vector<16xf32> to vector<1xf32>
        %squeeze3A_407 = vector.extract %slice3A_406[0] : f32 from vector<1xf32>
        %broadcast_in_dim3A_408 = vector.broadcast %squeeze3A_407 : f32 to vector<16xf32>
        %pack3A_409 = tpu.pack_subelements %broadcast_in_dim3A_408, %broadcast_in_dim3A_408 {pack_format = #tpu.pack_format<interleaved>, positions = array<i32: 0, 1>} : vector<16xf32>, vector<16xf32> -> vector<32xbf16>
        %sub3A_410 = arith.subf %pack3A_409, %pack3A_405 : vector<32xbf16>
        %mul3A_411 = arith.mulf %pack3A, %sub3A_410 : vector<32xbf16>
        %add3A_412 = arith.addf %pack3A_405, %mul3A_411 : vector<32xbf16>
        %sub3A_413 = arith.subf %add3A_412, %add3A_401 : vector<32xbf16>
        %mul3A_414 = arith.mulf %pack3A_149, %sub3A_413 : vector<32xbf16>
        %add3A_415 = arith.addf %add3A_401, %mul3A_414 : vector<32xbf16>
        %sub3A_416 = arith.subf %add3A_415, %add3A_390 : vector<32xbf16>
        %mul3A_417 = arith.mulf %pack3A_157, %sub3A_416 : vector<32xbf16>
        %add3A_418 = arith.addf %add3A_390, %mul3A_417 : vector<32xbf16>
        %sub3A_419 = arith.subf %add3A_418, %add3A_365 : vector<32xbf16>
        %mul3A_420 = arith.mulf %pack3A_165, %sub3A_419 : vector<32xbf16>
        %add3A_421 = arith.addf %add3A_365, %mul3A_420 : vector<32xbf16>
        %sub3A_422 = arith.subf %add3A_421, %add3A_312 : vector<32xbf16>
        %mul3A_423 = arith.mulf %pack3A_173, %sub3A_422 : vector<32xbf16>
        %add3A_424 = arith.addf %add3A_312, %mul3A_423 : vector<32xbf16>
        %slice3A_425 = vector.extract_strided_slice %get3A_198 {offsets = [0], sizes = [1], strides = [1]} : vector<16xf32> to vector<1xf32>
        %squeeze3A_426 = vector.extract %slice3A_425[0] : f32 from vector<1xf32>
        %broadcast_in_dim3A_427 = vector.broadcast %squeeze3A_426 : f32 to vector<16xf32>
        %pack3A_428 = tpu.pack_subelements %broadcast_in_dim3A_427, %broadcast_in_dim3A_427 {pack_format = #tpu.pack_format<interleaved>, positions = array<i32: 0, 1>} : vector<16xf32>, vector<16xf32> -> vector<32xbf16>
        %slice3A_429 = vector.extract_strided_slice %get3A_198 {offsets = [1], sizes = [1], strides = [1]} : vector<16xf32> to vector<1xf32>
        %squeeze3A_430 = vector.extract %slice3A_429[0] : f32 from vector<1xf32>
        %broadcast_in_dim3A_431 = vector.broadcast %squeeze3A_430 : f32 to vector<16xf32>
        %pack3A_432 = tpu.pack_subelements %broadcast_in_dim3A_431, %broadcast_in_dim3A_431 {pack_format = #tpu.pack_format<interleaved>, positions = array<i32: 0, 1>} : vector<16xf32>, vector<16xf32> -> vector<32xbf16>
        %sub3A_433 = arith.subf %pack3A_432, %pack3A_428 : vector<32xbf16>
        %mul3A_434 = arith.mulf %pack3A, %sub3A_433 : vector<32xbf16>
        %add3A_435 = arith.addf %pack3A_428, %mul3A_434 : vector<32xbf16>
        %slice3A_436 = vector.extract_strided_slice %get3A_198 {offsets = [2], sizes = [1], strides = [1]} : vector<16xf32> to vector<1xf32>
        %squeeze3A_437 = vector.extract %slice3A_436[0] : f32 from vector<1xf32>
        %broadcast_in_dim3A_438 = vector.broadcast %squeeze3A_437 : f32 to vector<16xf32>
        %pack3A_439 = tpu.pack_subelements %broadcast_in_dim3A_438, %broadcast_in_dim3A_438 {pack_format = #tpu.pack_format<interleaved>, positions = array<i32: 0, 1>} : vector<16xf32>, vector<16xf32> -> vector<32xbf16>
        %slice3A_440 = vector.extract_strided_slice %get3A_198 {offsets = [3], sizes = [1], strides = [1]} : vector<16xf32> to vector<1xf32>
        %squeeze3A_441 = vector.extract %slice3A_440[0] : f32 from vector<1xf32>
        %broadcast_in_dim3A_442 = vector.broadcast %squeeze3A_441 : f32 to vector<16xf32>
        %pack3A_443 = tpu.pack_subelements %broadcast_in_dim3A_442, %broadcast_in_dim3A_442 {pack_format = #tpu.pack_format<interleaved>, positions = array<i32: 0, 1>} : vector<16xf32>, vector<16xf32> -> vector<32xbf16>
        %sub3A_444 = arith.subf %pack3A_443, %pack3A_439 : vector<32xbf16>
        %mul3A_445 = arith.mulf %pack3A, %sub3A_444 : vector<32xbf16>
        %add3A_446 = arith.addf %pack3A_439, %mul3A_445 : vector<32xbf16>
        %sub3A_447 = arith.subf %add3A_446, %add3A_435 : vector<32xbf16>
        %mul3A_448 = arith.mulf %pack3A_149, %sub3A_447 : vector<32xbf16>
        %add3A_449 = arith.addf %add3A_435, %mul3A_448 : vector<32xbf16>
        %slice3A_450 = vector.extract_strided_slice %get3A_198 {offsets = [4], sizes = [1], strides = [1]} : vector<16xf32> to vector<1xf32>
        %squeeze3A_451 = vector.extract %slice3A_450[0] : f32 from vector<1xf32>
        %broadcast_in_dim3A_452 = vector.broadcast %squeeze3A_451 : f32 to vector<16xf32>
        %pack3A_453 = tpu.pack_subelements %broadcast_in_dim3A_452, %broadcast_in_dim3A_452 {pack_format = #tpu.pack_format<interleaved>, positions = array<i32: 0, 1>} : vector<16xf32>, vector<16xf32> -> vector<32xbf16>
        %slice3A_454 = vector.extract_strided_slice %get3A_198 {offsets = [5], sizes = [1], strides = [1]} : vector<16xf32> to vector<1xf32>
        %squeeze3A_455 = vector.extract %slice3A_454[0] : f32 from vector<1xf32>
        %broadcast_in_dim3A_456 = vector.broadcast %squeeze3A_455 : f32 to vector<16xf32>
        %pack3A_457 = tpu.pack_subelements %broadcast_in_dim3A_456, %broadcast_in_dim3A_456 {pack_format = #tpu.pack_format<interleaved>, positions = array<i32: 0, 1>} : vector<16xf32>, vector<16xf32> -> vector<32xbf16>
        %sub3A_458 = arith.subf %pack3A_457, %pack3A_453 : vector<32xbf16>
        %mul3A_459 = arith.mulf %pack3A, %sub3A_458 : vector<32xbf16>
        %add3A_460 = arith.addf %pack3A_453, %mul3A_459 : vector<32xbf16>
        %slice3A_461 = vector.extract_strided_slice %get3A_198 {offsets = [6], sizes = [1], strides = [1]} : vector<16xf32> to vector<1xf32>
        %squeeze3A_462 = vector.extract %slice3A_461[0] : f32 from vector<1xf32>
        %broadcast_in_dim3A_463 = vector.broadcast %squeeze3A_462 : f32 to vector<16xf32>
        %pack3A_464 = tpu.pack_subelements %broadcast_in_dim3A_463, %broadcast_in_dim3A_463 {pack_format = #tpu.pack_format<interleaved>, positions = array<i32: 0, 1>} : vector<16xf32>, vector<16xf32> -> vector<32xbf16>
        %slice3A_465 = vector.extract_strided_slice %get3A_198 {offsets = [7], sizes = [1], strides = [1]} : vector<16xf32> to vector<1xf32>
        %squeeze3A_466 = vector.extract %slice3A_465[0] : f32 from vector<1xf32>
        %broadcast_in_dim3A_467 = vector.broadcast %squeeze3A_466 : f32 to vector<16xf32>
        %pack3A_468 = tpu.pack_subelements %broadcast_in_dim3A_467, %broadcast_in_dim3A_467 {pack_format = #tpu.pack_format<interleaved>, positions = array<i32: 0, 1>} : vector<16xf32>, vector<16xf32> -> vector<32xbf16>
        %sub3A_469 = arith.subf %pack3A_468, %pack3A_464 : vector<32xbf16>
        %mul3A_470 = arith.mulf %pack3A, %sub3A_469 : vector<32xbf16>
        %add3A_471 = arith.addf %pack3A_464, %mul3A_470 : vector<32xbf16>
        %sub3A_472 = arith.subf %add3A_471, %add3A_460 : vector<32xbf16>
        %mul3A_473 = arith.mulf %pack3A_149, %sub3A_472 : vector<32xbf16>
        %add3A_474 = arith.addf %add3A_460, %mul3A_473 : vector<32xbf16>
        %sub3A_475 = arith.subf %add3A_474, %add3A_449 : vector<32xbf16>
        %mul3A_476 = arith.mulf %pack3A_157, %sub3A_475 : vector<32xbf16>
        %add3A_477 = arith.addf %add3A_449, %mul3A_476 : vector<32xbf16>
        %slice3A_478 = vector.extract_strided_slice %get3A_198 {offsets = [8], sizes = [1], strides = [1]} : vector<16xf32> to vector<1xf32>
        %squeeze3A_479 = vector.extract %slice3A_478[0] : f32 from vector<1xf32>
        %broadcast_in_dim3A_480 = vector.broadcast %squeeze3A_479 : f32 to vector<16xf32>
        %pack3A_481 = tpu.pack_subelements %broadcast_in_dim3A_480, %broadcast_in_dim3A_480 {pack_format = #tpu.pack_format<interleaved>, positions = array<i32: 0, 1>} : vector<16xf32>, vector<16xf32> -> vector<32xbf16>
        %slice3A_482 = vector.extract_strided_slice %get3A_198 {offsets = [9], sizes = [1], strides = [1]} : vector<16xf32> to vector<1xf32>
        %squeeze3A_483 = vector.extract %slice3A_482[0] : f32 from vector<1xf32>
        %broadcast_in_dim3A_484 = vector.broadcast %squeeze3A_483 : f32 to vector<16xf32>
        %pack3A_485 = tpu.pack_subelements %broadcast_in_dim3A_484, %broadcast_in_dim3A_484 {pack_format = #tpu.pack_format<interleaved>, positions = array<i32: 0, 1>} : vector<16xf32>, vector<16xf32> -> vector<32xbf16>
        %sub3A_486 = arith.subf %pack3A_485, %pack3A_481 : vector<32xbf16>
        %mul3A_487 = arith.mulf %pack3A, %sub3A_486 : vector<32xbf16>
        %add3A_488 = arith.addf %pack3A_481, %mul3A_487 : vector<32xbf16>
        %slice3A_489 = vector.extract_strided_slice %get3A_198 {offsets = [10], sizes = [1], strides = [1]} : vector<16xf32> to vector<1xf32>
        %squeeze3A_490 = vector.extract %slice3A_489[0] : f32 from vector<1xf32>
        %broadcast_in_dim3A_491 = vector.broadcast %squeeze3A_490 : f32 to vector<16xf32>
        %pack3A_492 = tpu.pack_subelements %broadcast_in_dim3A_491, %broadcast_in_dim3A_491 {pack_format = #tpu.pack_format<interleaved>, positions = array<i32: 0, 1>} : vector<16xf32>, vector<16xf32> -> vector<32xbf16>
        %slice3A_493 = vector.extract_strided_slice %get3A_198 {offsets = [11], sizes = [1], strides = [1]} : vector<16xf32> to vector<1xf32>
        %squeeze3A_494 = vector.extract %slice3A_493[0] : f32 from vector<1xf32>
        %broadcast_in_dim3A_495 = vector.broadcast %squeeze3A_494 : f32 to vector<16xf32>
        %pack3A_496 = tpu.pack_subelements %broadcast_in_dim3A_495, %broadcast_in_dim3A_495 {pack_format = #tpu.pack_format<interleaved>, positions = array<i32: 0, 1>} : vector<16xf32>, vector<16xf32> -> vector<32xbf16>
        %sub3A_497 = arith.subf %pack3A_496, %pack3A_492 : vector<32xbf16>
        %mul3A_498 = arith.mulf %pack3A, %sub3A_497 : vector<32xbf16>
        %add3A_499 = arith.addf %pack3A_492, %mul3A_498 : vector<32xbf16>
        %sub3A_500 = arith.subf %add3A_499, %add3A_488 : vector<32xbf16>
        %mul3A_501 = arith.mulf %pack3A_149, %sub3A_500 : vector<32xbf16>
        %add3A_502 = arith.addf %add3A_488, %mul3A_501 : vector<32xbf16>
        %slice3A_503 = vector.extract_strided_slice %get3A_198 {offsets = [12], sizes = [1], strides = [1]} : vector<16xf32> to vector<1xf32>
        %squeeze3A_504 = vector.extract %slice3A_503[0] : f32 from vector<1xf32>
        %broadcast_in_dim3A_505 = vector.broadcast %squeeze3A_504 : f32 to vector<16xf32>
        %pack3A_506 = tpu.pack_subelements %broadcast_in_dim3A_505, %broadcast_in_dim3A_505 {pack_format = #tpu.pack_format<interleaved>, positions = array<i32: 0, 1>} : vector<16xf32>, vector<16xf32> -> vector<32xbf16>
        %slice3A_507 = vector.extract_strided_slice %get3A_198 {offsets = [13], sizes = [1], strides = [1]} : vector<16xf32> to vector<1xf32>
        %squeeze3A_508 = vector.extract %slice3A_507[0] : f32 from vector<1xf32>
        %broadcast_in_dim3A_509 = vector.broadcast %squeeze3A_508 : f32 to vector<16xf32>
        %pack3A_510 = tpu.pack_subelements %broadcast_in_dim3A_509, %broadcast_in_dim3A_509 {pack_format = #tpu.pack_format<interleaved>, positions = array<i32: 0, 1>} : vector<16xf32>, vector<16xf32> -> vector<32xbf16>
        %sub3A_511 = arith.subf %pack3A_510, %pack3A_506 : vector<32xbf16>
        %mul3A_512 = arith.mulf %pack3A, %sub3A_511 : vector<32xbf16>
        %add3A_513 = arith.addf %pack3A_506, %mul3A_512 : vector<32xbf16>
        %slice3A_514 = vector.extract_strided_slice %get3A_198 {offsets = [14], sizes = [1], strides = [1]} : vector<16xf32> to vector<1xf32>
        %squeeze3A_515 = vector.extract %slice3A_514[0] : f32 from vector<1xf32>
        %broadcast_in_dim3A_516 = vector.broadcast %squeeze3A_515 : f32 to vector<16xf32>
        %pack3A_517 = tpu.pack_subelements %broadcast_in_dim3A_516, %broadcast_in_dim3A_516 {pack_format = #tpu.pack_format<interleaved>, positions = array<i32: 0, 1>} : vector<16xf32>, vector<16xf32> -> vector<32xbf16>
        %slice3A_518 = vector.extract_strided_slice %get3A_198 {offsets = [15], sizes = [1], strides = [1]} : vector<16xf32> to vector<1xf32>
        %squeeze3A_519 = vector.extract %slice3A_518[0] : f32 from vector<1xf32>
        %broadcast_in_dim3A_520 = vector.broadcast %squeeze3A_519 : f32 to vector<16xf32>
        %pack3A_521 = tpu.pack_subelements %broadcast_in_dim3A_520, %broadcast_in_dim3A_520 {pack_format = #tpu.pack_format<interleaved>, positions = array<i32: 0, 1>} : vector<16xf32>, vector<16xf32> -> vector<32xbf16>
        %sub3A_522 = arith.subf %pack3A_521, %pack3A_517 : vector<32xbf16>
        %mul3A_523 = arith.mulf %pack3A, %sub3A_522 : vector<32xbf16>
        %add3A_524 = arith.addf %pack3A_517, %mul3A_523 : vector<32xbf16>
        %sub3A_525 = arith.subf %add3A_524, %add3A_513 : vector<32xbf16>
        %mul3A_526 = arith.mulf %pack3A_149, %sub3A_525 : vector<32xbf16>
        %add3A_527 = arith.addf %add3A_513, %mul3A_526 : vector<32xbf16>
        %sub3A_528 = arith.subf %add3A_527, %add3A_502 : vector<32xbf16>
        %mul3A_529 = arith.mulf %pack3A_157, %sub3A_528 : vector<32xbf16>
        %add3A_530 = arith.addf %add3A_502, %mul3A_529 : vector<32xbf16>
        %sub3A_531 = arith.subf %add3A_530, %add3A_477 : vector<32xbf16>
        %mul3A_532 = arith.mulf %pack3A_165, %sub3A_531 : vector<32xbf16>
        %add3A_533 = arith.addf %add3A_477, %mul3A_532 : vector<32xbf16>
        %slice3A_534 = vector.extract_strided_slice %get3A_204 {offsets = [0], sizes = [1], strides = [1]} : vector<16xf32> to vector<1xf32>
        %squeeze3A_535 = vector.extract %slice3A_534[0] : f32 from vector<1xf32>
        %broadcast_in_dim3A_536 = vector.broadcast %squeeze3A_535 : f32 to vector<16xf32>
        %pack3A_537 = tpu.pack_subelements %broadcast_in_dim3A_536, %broadcast_in_dim3A_536 {pack_format = #tpu.pack_format<interleaved>, positions = array<i32: 0, 1>} : vector<16xf32>, vector<16xf32> -> vector<32xbf16>
        %slice3A_538 = vector.extract_strided_slice %get3A_204 {offsets = [1], sizes = [1], strides = [1]} : vector<16xf32> to vector<1xf32>
        %squeeze3A_539 = vector.extract %slice3A_538[0] : f32 from vector<1xf32>
        %broadcast_in_dim3A_540 = vector.broadcast %squeeze3A_539 : f32 to vector<16xf32>
        %pack3A_541 = tpu.pack_subelements %broadcast_in_dim3A_540, %broadcast_in_dim3A_540 {pack_format = #tpu.pack_format<interleaved>, positions = array<i32: 0, 1>} : vector<16xf32>, vector<16xf32> -> vector<32xbf16>
        %sub3A_542 = arith.subf %pack3A_541, %pack3A_537 : vector<32xbf16>
        %mul3A_543 = arith.mulf %pack3A, %sub3A_542 : vector<32xbf16>
        %add3A_544 = arith.addf %pack3A_537, %mul3A_543 : vector<32xbf16>
        %slice3A_545 = vector.extract_strided_slice %get3A_204 {offsets = [2], sizes = [1], strides = [1]} : vector<16xf32> to vector<1xf32>
        %squeeze3A_546 = vector.extract %slice3A_545[0] : f32 from vector<1xf32>
        %broadcast_in_dim3A_547 = vector.broadcast %squeeze3A_546 : f32 to vector<16xf32>
        %pack3A_548 = tpu.pack_subelements %broadcast_in_dim3A_547, %broadcast_in_dim3A_547 {pack_format = #tpu.pack_format<interleaved>, positions = array<i32: 0, 1>} : vector<16xf32>, vector<16xf32> -> vector<32xbf16>
        %slice3A_549 = vector.extract_strided_slice %get3A_204 {offsets = [3], sizes = [1], strides = [1]} : vector<16xf32> to vector<1xf32>
        %squeeze3A_550 = vector.extract %slice3A_549[0] : f32 from vector<1xf32>
        %broadcast_in_dim3A_551 = vector.broadcast %squeeze3A_550 : f32 to vector<16xf32>
        %pack3A_552 = tpu.pack_subelements %broadcast_in_dim3A_551, %broadcast_in_dim3A_551 {pack_format = #tpu.pack_format<interleaved>, positions = array<i32: 0, 1>} : vector<16xf32>, vector<16xf32> -> vector<32xbf16>
        %sub3A_553 = arith.subf %pack3A_552, %pack3A_548 : vector<32xbf16>
        %mul3A_554 = arith.mulf %pack3A, %sub3A_553 : vector<32xbf16>
        %add3A_555 = arith.addf %pack3A_548, %mul3A_554 : vector<32xbf16>
        %sub3A_556 = arith.subf %add3A_555, %add3A_544 : vector<32xbf16>
        %mul3A_557 = arith.mulf %pack3A_149, %sub3A_556 : vector<32xbf16>
        %add3A_558 = arith.addf %add3A_544, %mul3A_557 : vector<32xbf16>
        %slice3A_559 = vector.extract_strided_slice %get3A_204 {offsets = [4], sizes = [1], strides = [1]} : vector<16xf32> to vector<1xf32>
        %squeeze3A_560 = vector.extract %slice3A_559[0] : f32 from vector<1xf32>
        %broadcast_in_dim3A_561 = vector.broadcast %squeeze3A_560 : f32 to vector<16xf32>
        %pack3A_562 = tpu.pack_subelements %broadcast_in_dim3A_561, %broadcast_in_dim3A_561 {pack_format = #tpu.pack_format<interleaved>, positions = array<i32: 0, 1>} : vector<16xf32>, vector<16xf32> -> vector<32xbf16>
        %slice3A_563 = vector.extract_strided_slice %get3A_204 {offsets = [5], sizes = [1], strides = [1]} : vector<16xf32> to vector<1xf32>
        %squeeze3A_564 = vector.extract %slice3A_563[0] : f32 from vector<1xf32>
        %broadcast_in_dim3A_565 = vector.broadcast %squeeze3A_564 : f32 to vector<16xf32>
        %pack3A_566 = tpu.pack_subelements %broadcast_in_dim3A_565, %broadcast_in_dim3A_565 {pack_format = #tpu.pack_format<interleaved>, positions = array<i32: 0, 1>} : vector<16xf32>, vector<16xf32> -> vector<32xbf16>
        %sub3A_567 = arith.subf %pack3A_566, %pack3A_562 : vector<32xbf16>
        %mul3A_568 = arith.mulf %pack3A, %sub3A_567 : vector<32xbf16>
        %add3A_569 = arith.addf %pack3A_562, %mul3A_568 : vector<32xbf16>
        %slice3A_570 = vector.extract_strided_slice %get3A_204 {offsets = [6], sizes = [1], strides = [1]} : vector<16xf32> to vector<1xf32>
        %squeeze3A_571 = vector.extract %slice3A_570[0] : f32 from vector<1xf32>
        %broadcast_in_dim3A_572 = vector.broadcast %squeeze3A_571 : f32 to vector<16xf32>
        %pack3A_573 = tpu.pack_subelements %broadcast_in_dim3A_572, %broadcast_in_dim3A_572 {pack_format = #tpu.pack_format<interleaved>, positions = array<i32: 0, 1>} : vector<16xf32>, vector<16xf32> -> vector<32xbf16>
        %slice3A_574 = vector.extract_strided_slice %get3A_204 {offsets = [7], sizes = [1], strides = [1]} : vector<16xf32> to vector<1xf32>
        %squeeze3A_575 = vector.extract %slice3A_574[0] : f32 from vector<1xf32>
        %broadcast_in_dim3A_576 = vector.broadcast %squeeze3A_575 : f32 to vector<16xf32>
        %pack3A_577 = tpu.pack_subelements %broadcast_in_dim3A_576, %broadcast_in_dim3A_576 {pack_format = #tpu.pack_format<interleaved>, positions = array<i32: 0, 1>} : vector<16xf32>, vector<16xf32> -> vector<32xbf16>
        %sub3A_578 = arith.subf %pack3A_577, %pack3A_573 : vector<32xbf16>
        %mul3A_579 = arith.mulf %pack3A, %sub3A_578 : vector<32xbf16>
        %add3A_580 = arith.addf %pack3A_573, %mul3A_579 : vector<32xbf16>
        %sub3A_581 = arith.subf %add3A_580, %add3A_569 : vector<32xbf16>
        %mul3A_582 = arith.mulf %pack3A_149, %sub3A_581 : vector<32xbf16>
        %add3A_583 = arith.addf %add3A_569, %mul3A_582 : vector<32xbf16>
        %sub3A_584 = arith.subf %add3A_583, %add3A_558 : vector<32xbf16>
        %mul3A_585 = arith.mulf %pack3A_157, %sub3A_584 : vector<32xbf16>
        %add3A_586 = arith.addf %add3A_558, %mul3A_585 : vector<32xbf16>
        %slice3A_587 = vector.extract_strided_slice %get3A_204 {offsets = [8], sizes = [1], strides = [1]} : vector<16xf32> to vector<1xf32>
        %squeeze3A_588 = vector.extract %slice3A_587[0] : f32 from vector<1xf32>
        %broadcast_in_dim3A_589 = vector.broadcast %squeeze3A_588 : f32 to vector<16xf32>
        %pack3A_590 = tpu.pack_subelements %broadcast_in_dim3A_589, %broadcast_in_dim3A_589 {pack_format = #tpu.pack_format<interleaved>, positions = array<i32: 0, 1>} : vector<16xf32>, vector<16xf32> -> vector<32xbf16>
        %slice3A_591 = vector.extract_strided_slice %get3A_204 {offsets = [9], sizes = [1], strides = [1]} : vector<16xf32> to vector<1xf32>
        %squeeze3A_592 = vector.extract %slice3A_591[0] : f32 from vector<1xf32>
        %broadcast_in_dim3A_593 = vector.broadcast %squeeze3A_592 : f32 to vector<16xf32>
        %pack3A_594 = tpu.pack_subelements %broadcast_in_dim3A_593, %broadcast_in_dim3A_593 {pack_format = #tpu.pack_format<interleaved>, positions = array<i32: 0, 1>} : vector<16xf32>, vector<16xf32> -> vector<32xbf16>
        %sub3A_595 = arith.subf %pack3A_594, %pack3A_590 : vector<32xbf16>
        %mul3A_596 = arith.mulf %pack3A, %sub3A_595 : vector<32xbf16>
        %add3A_597 = arith.addf %pack3A_590, %mul3A_596 : vector<32xbf16>
        %slice3A_598 = vector.extract_strided_slice %get3A_204 {offsets = [10], sizes = [1], strides = [1]} : vector<16xf32> to vector<1xf32>
        %squeeze3A_599 = vector.extract %slice3A_598[0] : f32 from vector<1xf32>
        %broadcast_in_dim3A_600 = vector.broadcast %squeeze3A_599 : f32 to vector<16xf32>
        %pack3A_601 = tpu.pack_subelements %broadcast_in_dim3A_600, %broadcast_in_dim3A_600 {pack_format = #tpu.pack_format<interleaved>, positions = array<i32: 0, 1>} : vector<16xf32>, vector<16xf32> -> vector<32xbf16>
        %slice3A_602 = vector.extract_strided_slice %get3A_204 {offsets = [11], sizes = [1], strides = [1]} : vector<16xf32> to vector<1xf32>
        %squeeze3A_603 = vector.extract %slice3A_602[0] : f32 from vector<1xf32>
        %broadcast_in_dim3A_604 = vector.broadcast %squeeze3A_603 : f32 to vector<16xf32>
        %pack3A_605 = tpu.pack_subelements %broadcast_in_dim3A_604, %broadcast_in_dim3A_604 {pack_format = #tpu.pack_format<interleaved>, positions = array<i32: 0, 1>} : vector<16xf32>, vector<16xf32> -> vector<32xbf16>
        %sub3A_606 = arith.subf %pack3A_605, %pack3A_601 : vector<32xbf16>
        %mul3A_607 = arith.mulf %pack3A, %sub3A_606 : vector<32xbf16>
        %add3A_608 = arith.addf %pack3A_601, %mul3A_607 : vector<32xbf16>
        %sub3A_609 = arith.subf %add3A_608, %add3A_597 : vector<32xbf16>
        %mul3A_610 = arith.mulf %pack3A_149, %sub3A_609 : vector<32xbf16>
        %add3A_611 = arith.addf %add3A_597, %mul3A_610 : vector<32xbf16>
        %slice3A_612 = vector.extract_strided_slice %get3A_204 {offsets = [12], sizes = [1], strides = [1]} : vector<16xf32> to vector<1xf32>
        %squeeze3A_613 = vector.extract %slice3A_612[0] : f32 from vector<1xf32>
        %broadcast_in_dim3A_614 = vector.broadcast %squeeze3A_613 : f32 to vector<16xf32>
        %pack3A_615 = tpu.pack_subelements %broadcast_in_dim3A_614, %broadcast_in_dim3A_614 {pack_format = #tpu.pack_format<interleaved>, positions = array<i32: 0, 1>} : vector<16xf32>, vector<16xf32> -> vector<32xbf16>
        %slice3A_616 = vector.extract_strided_slice %get3A_204 {offsets = [13], sizes = [1], strides = [1]} : vector<16xf32> to vector<1xf32>
        %squeeze3A_617 = vector.extract %slice3A_616[0] : f32 from vector<1xf32>
        %broadcast_in_dim3A_618 = vector.broadcast %squeeze3A_617 : f32 to vector<16xf32>
        %pack3A_619 = tpu.pack_subelements %broadcast_in_dim3A_618, %broadcast_in_dim3A_618 {pack_format = #tpu.pack_format<interleaved>, positions = array<i32: 0, 1>} : vector<16xf32>, vector<16xf32> -> vector<32xbf16>
        %sub3A_620 = arith.subf %pack3A_619, %pack3A_615 : vector<32xbf16>
        %mul3A_621 = arith.mulf %pack3A, %sub3A_620 : vector<32xbf16>
        %add3A_622 = arith.addf %pack3A_615, %mul3A_621 : vector<32xbf16>
        %slice3A_623 = vector.extract_strided_slice %get3A_204 {offsets = [14], sizes = [1], strides = [1]} : vector<16xf32> to vector<1xf32>
        %squeeze3A_624 = vector.extract %slice3A_623[0] : f32 from vector<1xf32>
        %broadcast_in_dim3A_625 = vector.broadcast %squeeze3A_624 : f32 to vector<16xf32>
        %pack3A_626 = tpu.pack_subelements %broadcast_in_dim3A_625, %broadcast_in_dim3A_625 {pack_format = #tpu.pack_format<interleaved>, positions = array<i32: 0, 1>} : vector<16xf32>, vector<16xf32> -> vector<32xbf16>
        %slice3A_627 = vector.extract_strided_slice %get3A_204 {offsets = [15], sizes = [1], strides = [1]} : vector<16xf32> to vector<1xf32>
        %squeeze3A_628 = vector.extract %slice3A_627[0] : f32 from vector<1xf32>
        %broadcast_in_dim3A_629 = vector.broadcast %squeeze3A_628 : f32 to vector<16xf32>
        %pack3A_630 = tpu.pack_subelements %broadcast_in_dim3A_629, %broadcast_in_dim3A_629 {pack_format = #tpu.pack_format<interleaved>, positions = array<i32: 0, 1>} : vector<16xf32>, vector<16xf32> -> vector<32xbf16>
        %sub3A_631 = arith.subf %pack3A_630, %pack3A_626 : vector<32xbf16>
        %mul3A_632 = arith.mulf %pack3A, %sub3A_631 : vector<32xbf16>
        %add3A_633 = arith.addf %pack3A_626, %mul3A_632 : vector<32xbf16>
        %sub3A_634 = arith.subf %add3A_633, %add3A_622 : vector<32xbf16>
        %mul3A_635 = arith.mulf %pack3A_149, %sub3A_634 : vector<32xbf16>
        %add3A_636 = arith.addf %add3A_622, %mul3A_635 : vector<32xbf16>
        %sub3A_637 = arith.subf %add3A_636, %add3A_611 : vector<32xbf16>
        %mul3A_638 = arith.mulf %pack3A_157, %sub3A_637 : vector<32xbf16>
        %add3A_639 = arith.addf %add3A_611, %mul3A_638 : vector<32xbf16>
        %sub3A_640 = arith.subf %add3A_639, %add3A_586 : vector<32xbf16>
        %mul3A_641 = arith.mulf %pack3A_165, %sub3A_640 : vector<32xbf16>
        %add3A_642 = arith.addf %add3A_586, %mul3A_641 : vector<32xbf16>
        %sub3A_643 = arith.subf %add3A_642, %add3A_533 : vector<32xbf16>
        %mul3A_644 = arith.mulf %pack3A_173, %sub3A_643 : vector<32xbf16>
        %add3A_645 = arith.addf %add3A_533, %mul3A_644 : vector<32xbf16>
        %sub3A_646 = arith.subf %add3A_645, %add3A_424 : vector<32xbf16>
        %mul3A_647 = arith.mulf %pack3A_181, %sub3A_646 : vector<32xbf16>
        %add3A_648 = arith.addf %add3A_424, %mul3A_647 : vector<32xbf16>
        %unpack3A = tpu.unpack_subelements %add3A_648, 0 {pack_format = #tpu.pack_format<interleaved>} : vector<32xbf16> -> vector<16xf32>
        %unpack3A_649 = tpu.unpack_subelements %add3A_648, 1 {pack_format = #tpu.pack_format<interleaved>} : vector<32xbf16> -> vector<16xf32>
        %add3A_650 = arith.addf %scan3A_128, %unpack3A : vector<16xf32>
        %add3A_651 = arith.addf %scan3A_129, %unpack3A_649 : vector<16xf32>
        scf.yield %add3A_650, %add3A_651 : vector<16xf32>, vector<16xf32>
      }
      %scan3A_103 = arith.constant 100 : i32
      %add3A_104 = arith.constant 0 : i32
      %add3A_105 = vector.broadcast %add3A_104 : i32 to vector<16xi32>
      %add3A_106 = arith.addi %iota3A, %add3A_105 : vector<16xi32>
      %mul3A_107 = arith.constant 10 : i32
      %mul3A_108 = vector.broadcast %mul3A_107 : i32 to vector<16xi32>
      %mul3A_109 = arith.muli %add3A_106, %mul3A_108 : vector<16xi32>
      %add3A_110 = vector.broadcast %scan3A_62 : i32 to vector<16xi32>
      %add3A_111 = arith.addi %mul3A_109, %add3A_110 : vector<16xi32>
      %mul3A_112 = arith.constant 3.000000e-01 : f32
      %mul3A_113 = vector.broadcast %mul3A_112 : f32 to vector<16xf32>
      %mul3A_114 = arith.mulf %scan3A_102#0, %mul3A_113 : vector<16xf32>
      tpu.vector_store_idx %arg17[%add3A_111], %mul3A_114 : memref<320xf32, #tpu.memory_space<vmem>>[vector<16xi32>], vector<16xf32>,
      %add3A_115 = arith.constant 16 : i32
      %add3A_116 = vector.broadcast %add3A_115 : i32 to vector<16xi32>
      %add3A_117 = arith.addi %iota3A, %add3A_116 : vector<16xi32>
      %mul3A_118 = arith.constant 10 : i32
      %mul3A_119 = vector.broadcast %mul3A_118 : i32 to vector<16xi32>
      %mul3A_120 = arith.muli %add3A_117, %mul3A_119 : vector<16xi32>
      %add3A_121 = vector.broadcast %scan3A_62 : i32 to vector<16xi32>
      %add3A_122 = arith.addi %mul3A_120, %add3A_121 : vector<16xi32>
      %mul3A_123 = arith.constant 3.000000e-01 : f32
      %mul3A_124 = vector.broadcast %mul3A_123 : f32 to vector<16xf32>
      %mul3A_125 = arith.mulf %scan3A_102#1, %mul3A_124 : vector<16xf32>
      tpu.vector_store_idx %arg17[%add3A_122], %mul3A_125 : memref<320xf32, #tpu.memory_space<vmem>>[vector<16xi32>], vector<16xf32>,
      %scan3A_126 = arith.constant 0 : i32
      scf.yield %scan3A_126 : i32
    }
    %scan3A_57 = arith.constant 10 : i32
    %mul3A_58 = arith.constant 32 : i32
    %mul3A_59 = arith.muli %add3A, %mul3A_58 : i32
    %mul3A_60 = arith.constant 10 : i32
    %mul3A_61 = arith.muli %mul3A_59, %mul3A_60 : i32
    "tpu.region"() ({
      %run_scoped3A = tpu.sem_alloc : memref<!tpu.dma_semaphore, #tpu.memory_space<semaphore_mem>>
      %dma_start3A = tpu.memref_slice %arg8[%mul3A_61] : memref<10240xf32, #tpu.memory_space<hbm>> -> memref<320xf32, #tpu.memory_space<hbm>>
      %dma_start3A_62 = tpu.memref_slice %arg8[%mul3A_61] : memref<10240xf32, #tpu.memory_space<hbm>> -> memref<320xf32, #tpu.memory_space<hbm>>
      tpu.enqueue_dma source(%arg17 : memref<320xf32, #tpu.memory_space<vmem>>) target(%dma_start3A_62 : memref<320xf32, #tpu.memory_space<hbm>>) target_semaphore(%run_scoped3A : memref<!tpu.dma_semaphore, #tpu.memory_space<semaphore_mem>>)
      %dma_wait3A = tpu.memref_slice %arg8[%mul3A_61] : memref<10240xf32, #tpu.memory_space<hbm>> -> memref<320xf32, #tpu.memory_space<hbm>>
      %dma_wait3A_63 = tpu.memref_slice %arg8[%mul3A_61] : memref<10240xf32, #tpu.memory_space<hbm>> -> memref<320xf32, #tpu.memory_space<hbm>>
      tpu.wait_dma2 semaphore(%run_scoped3A : memref<!tpu.dma_semaphore, #tpu.memory_space<semaphore_mem>>) src(%arg17 : memref<320xf32, #tpu.memory_space<vmem>>) dst(%dma_wait3A_63 : memref<320xf32, #tpu.memory_space<hbm>>)
      tpu.yield
    }) : () -> ()
    return
  }
}

</mosaic_0001>

<sc_bundles>
// kernel: kernel.3.cloned.1.call-start
scs
__scs_entry_jumppad:
0x0: {  	(pc) =	sbr.rel $0x88, $3  }
0x1: {  	(tag) =	ssettag $0x0;
	lr =	simm.s32 $0x1  }
0x2: {  	[smem:$0x3F9B] =	sst lr;
	_ =	strace $0xD0000000  }
0x3: {  	_ = 	snop  }
0x4: {  	_ = 	snop  }
0x5: {  	_ = 	snop  }
0x6: {  	_ = 	snop  }
0x7: {  	_ = 	snop  }
__scs_overlays_trampoline_lowered:
0x8: {  	[smem:$0x3FAA] =	sst s0  }
0x9: {  	[smem:$0x3FAB] =	sst s1  }
0xa: {  	[smem:$0x3FAC] =	sst s2  }
0xb: {  	[smem:$0x3FAD] =	sst s3  }
0xc: {  	[smem:$0x3FAE] =	sst s4  }
0xd: {  	[smem:$0x3FAF] =	sst s5  }
0xe: {  	[smem:$0x3FB0] =	sst s6  }
0xf: {  	[smem:$0x3FB1] =	sst s7  }
0x10: {  	[smem:$0x3FB2] =	sst s8  }
0x11: {  	[smem:$0x3FB3] =	sst s9;
	s0 =	simm.s32 @!p0 $0x0  }
0x12: {  	s1 =	sld [smem:$0x3F99];
	s0 =	simm.s32 @p0 $0x1  }
0x13: {  	[smem:$0x3FB4] =	sst s0;
	s0 =	simm.s32 @!p1 $0x0  }
0x14: {  	s2 =	sld [smem:$0x3F98];
	s0 =	simm.s32 @p1 $0x1  }
0x15: {  	[smem:$0x3FB5] =	sst s0;
	s0 =	simm.s32 @!p2 $0x0  }
0x16: {  	s3 =	sld [smem:$0x3FDB];
	s0 =	simm.s32 @p2 $0x1  }
0x17: {  	s4 =	simm.s32 $0x1BF5;
	[smem:$0x3FB7] =	sst s0  }
0x18: {  	s0 =	sld [smem:$0x3F9A];
	_ =	swait.ge [sflag:s4], $0x0  }
0x19: {  	s7 =	sld [smem:$0x3F9B]  }
0x1a: {  	s8 =	sadd.s32 $0xFFFFE003, lr  }
0x1b: {  	s9 =	sadd.s32 $0xFFFFFEF7, lr;
	s5 =	simm.s32 $0xFFFFFFFF;
	p2 =	slt.u32 s8, $0xFFFFF086  }
0x1c: {  	p1 =	slt.u32 s9, $0xF7A;
	s5 =	simm.s32 @!p2 $0x0  }
0x1d: {  	s5 =	simm.s32 @p1 $0x1;
	p0 =	seq.s32 s7, s2  }
0x1e: {  	s7 =	smul.u32 @!p0 $0xF7A, s2;
	p2 =	seq.s32 @!p0 s5, $0x0  }
0x1f: {  	s9 =	smul.u32 $0xF7A, s1;
	s8 =	simm.s32 @!p0 $0x1BF5;
	p2 =	por !p2, p0  }
0x20: {  	[sflag:s8] =	ssyncset.s32 @!p0 $0xFFFFF086;
	s6 =	sadd.s32 @!p0 s3, s7;
	s7 =	simm.s32 @!p0 $0x108  }
0x21: {  	s3 =	sadd.s32 s3, s9;
	s6 =	sadd.s32 @!p0 $0x88, s6;
	s7 =	simm.s32 @p2 $0x1082  }
0x22: {  	[simem:s7], [sflag:s8] =	dma.local @!p0 [hbm:s6], $0xF7A  }
0x23: {  	s9 =	sor.u32 $0xD0000000, s2;
	s6 =	simm.s32 $0x108;
	_ =	swait.ge @!p0 [sflag:s8], $0x0  }
0x24: {  	s3 =	sadd.s32 $0x88, s3;
	s6 =	simm.s32 @!p1 $0x1082;
	[sflag:s4] =	ssyncset.s32 $0xFFFFF086  }
0x25: {  	[simem:s6], [sflag:s4] =	dma.local [hbm:s3], $0xF7A  }
0x26: {  	[smem:$0x3F9B] =	sst s1;
	(tag) =	ssettag s2;
	_ =	strace s9  }
0x27: {  	s1 =	sld [smem:$0x3FAB]  }
0x28: {  	s2 =	sld [smem:$0x3FAC]  }
0x29: {  	s4 =	sld [smem:$0x3FAE]  }
0x2a: {  	p0 =	seq.s32 s5, $0x0;
	s5 =	sld [smem:$0x3FAF]  }
0x2b: {  	s6 =	sld [smem:$0x3FB0]  }
0x2c: {  	s7 =	sld [smem:$0x3FB1]  }
0x2d: {  	s3 =	simm.s32 $0x108;
	s8 =	sld [smem:$0x3FB2]  }
0x2e: {  	s3 =	simm.s32 @!p0 $0x1082;
	s9 =	sld [smem:$0x3FB3]  }
0x2f: {  	lr =	sadd.s32 s0, s3;
	s0 =	sld [smem:$0x3FAA]  }
0x30: {  	s3 =	sld [smem:$0x3FAD]  }
0x31: {  	[smem:$0x3FB6] =	sst s10  }
0x32: {  	s10 =	sld [smem:$0x3FB4];
	_ =	sdelay $0x3  }
0x33: {  	p0 =	seq.s32 s10, $0x1;
	s10 =	sld [smem:$0x3FB6];
	_ =	sdelay $0x3  }
0x34: {  	[smem:$0x3FB6] =	sst s10  }
0x35: {  	s10 =	sld [smem:$0x3FB5];
	_ =	sdelay $0x3  }
0x36: {  	p1 =	seq.s32 s10, $0x1;
	s10 =	sld [smem:$0x3FB6];
	_ =	sdelay $0x3  }
0x37: {  	[smem:$0x3FB6] =	sst s10  }
0x38: {  	s10 =	sld [smem:$0x3FB7]  }
0x39: {  	_ = 	snop;
	(pc) =	sbr.ind lr, $3  }
0x3a: {  	_ = 	snop  }
0x3b: {  	_ = 	snop  }
0x3c: {  	p2 =	seq.s32 s10, $0x1;
	s10 =	sld [smem:$0x3FB6]  }
0x3d: {  	_ =	shalt  }
0x3e: {  	_ =	shalt  }
0x3f: {  	_ =	shalt  }
0x40: {  	_ =	shalt  }
0x41: {  	_ =	shalt  }
0x42: {  	_ =	shalt  }
0x43: {  	_ =	shalt  }
0x44: {  	_ =	shalt  }
0x45: {  	_ =	shalt  }
0x46: {  	_ =	shalt  }
0x47: {  	_ =	shalt  }
0x48: {  	_ =	shalt  }
0x49: {  	_ =	shalt  }
0x4a: {  	_ =	shalt  }
0x4b: {  	_ =	shalt  }
0x4c: {  	_ =	shalt  }
0x4d: {  	_ =	shalt  }
0x4e: {  	_ =	shalt  }
0x4f: {  	_ =	shalt  }
0x50: {  	_ =	shalt  }
0x51: {  	_ =	shalt  }
0x52: {  	_ =	shalt  }
0x53: {  	_ =	shalt  }
0x54: {  	_ =	shalt  }
0x55: {  	_ =	shalt  }
0x56: {  	_ =	shalt  }
0x57: {  	_ =	shalt  }
0x58: {  	_ =	shalt  }
0x59: {  	_ =	shalt  }
0x5a: {  	_ =	shalt  }
0x5b: {  	_ =	shalt  }
0x5c: {  	_ =	shalt  }
0x5d: {  	_ =	shalt  }
0x5e: {  	_ =	shalt  }
0x5f: {  	_ =	shalt  }
0x60: {  	_ =	shalt  }
0x61: {  	_ =	shalt  }
0x62: {  	_ =	shalt  }
0x63: {  	_ =	shalt  }
0x64: {  	_ =	shalt  }
0x65: {  	_ =	shalt  }
0x66: {  	_ =	shalt  }
0x67: {  	_ =	shalt  }
0x68: {  	_ =	shalt  }
0x69: {  	_ =	shalt  }
0x6a: {  	_ =	shalt  }
0x6b: {  	_ =	shalt  }
0x6c: {  	_ =	shalt  }
0x6d: {  	_ =	shalt  }
0x6e: {  	_ =	shalt  }
0x6f: {  	_ =	shalt  }
0x70: {  	_ =	shalt  }
0x71: {  	_ =	shalt  }
0x72: {  	_ =	shalt  }
0x73: {  	_ =	shalt  }
0x74: {  	_ =	shalt  }
0x75: {  	_ =	shalt  }
0x76: {  	_ =	shalt  }
0x77: {  	_ =	shalt  }
0x78: {  	_ =	shalt  }
0x79: {  	_ =	shalt  }
0x7a: {  	_ =	shalt  }
0x7b: {  	_ =	shalt  }
0x7c: {  	_ =	shalt  }
0x7d: {  	_ =	shalt  }
0x7e: {  	_ =	shalt  }
0x7f: {  	_ =	shalt  }
0x80: {  	_ =	shalt  }
0x81: {  	_ =	shalt  }
0x82: {  	_ =	shalt  }
0x83: {  	_ =	shalt  }
0x84: {  	_ =	shalt  }
0x85: {  	_ =	shalt  }
0x86: {  	_ =	shalt  }
0x87: {  	_ =	shalt  }
.Lfunc_end0:
.L_simem_size_0:
called_computation_lowered:
.L_overlay_start_0:
0x88: {  	s2 =	sld [smem:$0x3FD9]  }
0x89: {  	s3 =	sld [smem:$0x3FFE];
	_ =	sdelay $0x1  }
0x8a: {  	s1 =	srdreg.scid  }
0x8b: {  	s0 =	sand.u32 $0x1, s1  }
0x8c: {  	s17 =	sshll.u32 s0, $0xA;
	s2 =	sadd.s32 s3, s2  }
0x8d: {  	s2 =	sadd.s32 s2, s17  }
0x8e: {  	[smem:$0x3FC2] =	sst s2  }
0x8f: {  	_ = 	snop  }
0x90: {  	s2 =	sld [smem:$0x3FD0];
	(tm) =	ssettm $0x1  }
0x91: {  	s18 =	sld [smem:$0x3FFB];
	_ =	sdelay $0x3  }
0x92: {  	_ =	strace s18  }
0x93: {  	s3 =	sld [smem:$0x3FFC];
	_ =	sdelay $0x3  }
0x94: {  	_ =	strace s3  }
0x95: {  	s3 =	sld [smem:$0x3FFD];
	_ =	sdelay $0x3  }
0x96: {  	_ =	strace s3  }
0x97: {  	_ =	strace $0x8FFFFFFF  }
0x98: {  	s19 =	sld [smem:$0x3FDB];
	_ =	sdelay $0x1  }
0x99: {  	s4 =	simm.s32 $_scs_section_size  }
0x9a: {  	s5 =	simm.s32 $_size__tile_overlayer_lowered;
	s6 =	simm.s32 $_tile_overlayer_lowered  }
0x9b: {  	s22 =	simm.s32 $0x1BFF;
	s21 =	sshll.u32 s6, $0x1;
	s3 =	sadd.s32 s4, s19  }
0x9c: {  	s7 =	simm.s32 $0x0;
	s20 =	sshll.u32 s5, $0x1;
	s5 =	sadd.s32 s21, s3  }
0x9d: {  	[timem:s7], [sflag:s22] =	dma.local [hbm:s5], s20  }
0x9e: {  	_ =	swait.ge [sflag:s22], s20  }
0x9f: {  	s4 =	ssub.s32 $0x0, s20;
	[sflag:s22] =	ssyncset.done $0x0  }
0xa0: {  	[sflag:s22] =	ssyncadd.s32 s4;
	_ =	sdelay $0x1  }
0xa1: {  	s23 =	simm.s32 $0x1B8B  }
0xa2: {  	_ =	swait.ge [sflag:s23], $0x1  }
0xa3: {  	[sflag:s23] =	ssyncset.done $0x0  }
0xa4: {  	s25 =	simm.s32 $0x1B8E;
	s24 =	sld [smem:$0x3FFE];
	[sflag:s23] =	ssyncadd.s32 $0xFFFFFFFF  }
0xa5: {  	s26 =	simm.s32 $execute0_lowered;
	[smem:$0x3FD2] =	sst s25  }
0xa6: {  	s5 =	sshll.u32 s26, $0x1;
	_ =	strace $0x80000046;
	[dreg:$0x1] =	wrdreg $0xFFFFFFFF  }
0xa7: {  	s28 =	simm.s32 $_size_execute0_lowered;
	s3 =	sadd.s32 s3, s5;
	[dreg:$0x0] =	wrdreg $0x0  }
0xa8: {  	s5 =	sshll.u32 s28, $0x1;
	[dreg:$0x2] =	wrdreg s3  }
0xa9: {  	[dreg:$0x3] =	wrdreg s5  }
0xaa: {  	[dreg:$0x4] =	wrdreg $0xC0  }
0xab: {  	_ =	task [dreg:s7], $0x5FFFF  }
0xac: {  	[dreg:$0x1] =	wrdreg $0xFFFFFFFF  }
0xad: {  	[dreg:$0x0] =	wrdreg $0x60  }
0xae: {  	[dreg:$0x2] =	wrdreg s24  }
0xaf: {  	[dreg:$0x3] =	wrdreg s2  }
0xb0: {  	[dreg:$0x4] =	wrdreg $0x1CF600  }
0xb1: {  	[dreg:$0x5] =	wrdreg $0x1D2500  }
0xb2: {  	[dreg:$0x6] =	wrdreg $0x1A0800  }
0xb3: {  	[dreg:$0x7] =	wrdreg $0x1BFC00  }
0xb4: {  	[dreg:$0x8] =	wrdreg $0x9  }
0xb5: {  	_ =	task.clear_ibuf [dreg:s7], $0x9FFFF;
	_ =	strace $0x90000046  }
0xb6: {  	s29 =	simm.s32 $0x9;
	_ =	strace $0x80000048  }
0xb7: {  	_ =	swait.ge [sflag:s29], $0x1  }
0xb8: {  	[sflag:s29] =	ssyncadd.s32 $0xFFFFFFFF  }
0xb9: {  	_ =	strace $0x90000048  }
0xba: {  	_ =	sfence  }
0xbb: {  	s30 =	sld [smem:$0x0];
	_ =	sdelay $0x2  }
0xbc: {  	s31 =	sshll.u32 s1, $0xD;
	s1 =	sshrl.u32 s1, $0x2  }
0xbd: {  	s3 =	sand.u32 $0x4000, s31;
	s1 =	sadd.s32 s1, s30  }
0xbe: {  	s0 =	sor.u32 s3, s0;
	s1 =	sshll.u32 s1, $0x11  }
0xbf: {  	s0 =	sor.u32 s1, s0  }
0xc0: {  	s0 =	sadd.s32 $0x8F2B, s0  }
0xc1: {  	[sflag:s0] =	ssyncadd.remote.s32 $0x1  }
0xc2: {  	_ =	sfence.sel $0xFFFF  }
0xc3: {  	[dreg:$0x0] =	wrdreg $0xFFFFFFFF;
	(pc) =	sbr.abs _section_cstart, $3  }
0xc4: {  	[dreg:$0x1] =	wrdreg $0xFFFFFFFF  }
0xc5: {  	_ =	task.clear_ibuf [dreg:s7], $0x2FFFF;
	_ =	strace $0x9FFFFFFF  }
0xc6: {  	(tm) =	ssettm $0x7FFFFFFF  }
0xc7: {  	_ =	shalt  }
tec
execute0_lowered:
.L_overlay_start_1:
0x0: {  	(tag) =	ssettag $0x1  }
0x1: {  	s0 =	rddreg [dreg:$0x0]  }
0x2: {  	s1 =	rddreg [dreg:$0x2]  }
0x3: {  	s2 =	rddreg [dreg:$0x3]  }
0x4: {  	s3 =	srdreg.scid;
	s4 =	rddreg [dreg:$0x4]  }
0x5: {  	s5 =	stileid.u32;
	s6 =	rddreg [dreg:$0x5];
	s15 =	simm.s32 $0x15E80  }
0x6: {  	s16 =	simm.s32 $0x3;
	s19 =	simm.s32 $0x19D00;
	s20 =	simm.s32 $0x4  }
0x7: {  	s21 =	simm.s32 $0x16A80;
	s22 =	simm.s32 $0x15C00;
	s23 =	simm.s32 $0x1  }
0x8: {  	s24 =	simm.s32 $0x2;
	s28 =	simm.s32 $0x6200;
	s29 =	simm.s32 $0x19F00  }
0x9: {  	s30 =	simm.s32 $0x0;
	s3 =	sand.u32 $0x1, s3;
	s25 =	sadd.s32 $0x1FA00, s0  }
0xa: {  	s10 =	sadd.s32 $0x1D600, s0;
	s12 =	sadd.s32 $0x1F600, s0;
	p0 =	sne.s32 s5, $0x0  }
0xb: {  	s7 =	sshll.u32 s3, $0x4;
	s3 =	ssub.s32 $0x2, s3;
	s17 =	sshrl.u32 @!p0 s1, $0x3  }
0xc: {  	s18 =	sshrl.u32 @!p0 s2, $0x3;
	s8 =	sor.u32 s5, s7;
	s7 =	simm.s32 $0x0  }
0xd: {  	v0 =	vlaneseq.u32;
	s26 =	sshrl.u32 s3, $0x1;
	s9 =	smul.u32 $0xC40, s8;
	[smem:$0x7FF] =	sst s7  }
0xe: {  	v4 =	vmul.u32 $0x310, v0;
	s8 =	smul.u32 $0x28, s8;
	_ =	strace $0x80000047;
	[dreg:$0x7] =	wrdreg s25  }
0xf: {  	s3 =	ssub.s32 s3, s26;
	[dreg:$0x8] =	wrdreg s12;
	s11 =	sadd.s32 s9, s0  }
0x10: {  	v20 =	vadd.s32 $0x3100, v4;
	[tilespmem:$0x1FFD0] =	vst v4;
	s9 =	sadd.s32 $0x19600, s0;
	s0 =	sadd.s32 s8, s0;
	s31 =	sadd.s32 $0xE00, s11  }
0x11: {  	v32 =	vor.u32 $0x10, v0;
	s26 =	simm.s32 $0x16800;
	[tilespmem:$0x1FFE0] =	vst v20;
	s0 =	sadd.s32 $0x1FC00, s0;
	[dreg:$0x9] =	wrdreg s31  }
0x12: {  	v19 =	vimm.s32 $0x0;
	s14 =	smax.u32 s3, $0x1;
	s25 =	simm.s32 $0x18380;
	[tilespmem:$0x1FFF0] =	vst v32;
	[dreg:$0xa] =	wrdreg s0  }
.LBB2_1:
0x13: {  	s0 =	rddreg [dreg:$0x7]  }
0x14: {  	[tilespmem:s15], [sflag:$0x3] =	stream.linear.gather [hbm4b:s0+s7], $0x980, $0x38;
	[tilespmem:$0x1D3C8] =	vst v63  }
0x15: {  	_ =	swait.ge [sflag:s16], $0x980  }
0x16: {  	[sflag:s16] =	ssyncset.done $0x0  }
0x17: {  	s31 =	rddreg [dreg:$0x9];
	[sflag:s16] =	ssyncadd.s32 $0xFFFFF680  }
0x18: {  	[tilespmem:s7], [sflag:$0x3] =	stream.linear.gather [hbm4b:s31+s7], $0x6200, $0x38;
	[tilespmem:$0x1D3C8] =	vst v63  }
0x19: {  	_ =	swait.ge [sflag:s16], $0x6200  }
0x1a: {  	[sflag:s16] =	ssyncset.done $0x0  }
0x1b: {  	[sflag:s16] =	ssyncadd.s32 $0xFFFF9E00  }
0x1c: {  	s0 =	simm.s32 @!p0 $0x1C03;
	s3 =	rddreg [dreg:$0x1]  }
0x1d: {  	[spmem:s17], [sflag:s0] =	dma.local @!p0 [hbm:s3], $0x5E0  }
0x1e: {  	s3 =	simm.s32 @!p0 $0x3  }
0x1f: {  	_ =	swait.ge @!p0 [sflag:s3], $0x5E0  }
0x20: {  	[sflag:s3] =	ssyncset.done @!p0 $0x0  }
.Ltmp0:
0x21: {  	s8 =	rddreg [dreg:$0x8];
	[sflag:s3] =	ssyncadd.s32 @!p0 $0xFFFFFA20;
	(pc) =	sbr.rel .LBB2_2-.Ltmp0, $4  }
0x22: {  	[spmem:s18], [sflag:s0] =	dma.local @!p0 [hbm:s8], $0x2F0  }
0x23: {  	_ =	swait.ge @!p0 [sflag:s3], $0x2F0  }
0x24: {  	[sflag:s3] =	ssyncset.done @!p0 $0x0  }
0x25: {  	s0 =	simm.s32 $0x0;
	[sflag:s3] =	ssyncadd.s32 @!p0 $0xFFFFFD10  }
.LBB2_6:
0x26: {  	s0 =	sadd.s32 $0x1, s0  }
0x27: {  	p1 =	sne.s32 s0, $0x10  }
.Ltmp1:
0x28: {  	_ = 	snop;
	(pc) =	sbr.rel @!p1 .LBB2_7-.Ltmp1, $1  }
0x29: {  	_ =	sdelay $0x3  }
.LBB2_2:
0x2a: {  	s3 =	sshll.u32 s0, $0x4  }
0x2b: {  	s3 =	sor.u32 s5, s3  }
0x2c: {  	p1 =	sgt.u32 s3, $0xF9  }
.Ltmp2:
0x2d: {  	_ = 	snop;
	(pc) =	sbr.rel @p1 .LBB2_6-.Ltmp2, $1  }
0x2e: {  	_ =	sdelay $0x3  }
0x2f: {  	s8 =	sshll.u32 s3, $0x6  }
0x30: {  	s11 =	simm.s32 $0x0;
	s8 =	sadd.s32 s9, s8  }
0x31: {  	[tilespmem:s19], [sflag:$0x4] =	stream.linear.gather [hbm4b:s8+s11], $0x200, $0x38;
	[tilespmem:$0x1D3C8] =	vst v63  }
0x32: {  	_ =	swait.ge [sflag:s20], $0x200  }
0x33: {  	[sflag:s20] =	ssyncset.done $0x0  }
0x34: {  	s8 =	simm.s32 $0x0;
	s11 =	simm.s32 $0x40;
	[sflag:s20] =	ssyncadd.s32 $0xFFFFFE00  }
.LBB2_4:
0x35: {  	p1 =	sne.s32 s11, $0x7C0;
	v1 =	vld [tilespmem:s8+$0x19D00];
	_ =	sdelay $0x4  }
0x36: {  	v1 =	vsub.f32 $0.0e+00, v1;
	_ =	sdelay $0x1  }
0x37: {  	v1 =	vmul.f32 $1.442695020e+00, v1;
	_ =	sdelay $0x1  }
0x38: {  	(erf) = vpow2.f32 v1;
	_ =	sdelay $0x8  }
0x39: {  	v1 =	vpop (erf)  }
0x3a: {  	v1 =	vadd.f32 $1.000000000e+00, v1;
	_ =	sdelay $0x1  }
0x3b: {  	(erf) = vrcp.f32 v1;
	_ =	sdelay $0x5  }
.Ltmp3:
0x3c: {  	(pc) =	sbr.rel @p1 .LBB2_4-.Ltmp3, $3  }
0x3d: {  	_ =	sdelay $0x1  }
0x3e: {  	v1 =	vpop (erf)  }
0x3f: {  	[tilespmem:s8+$0x19D00] =	vst v1;
	s8 =	sshra.s32 s11, $0x2;
	s11 =	sadd.s32 $0x40, s11  }
0x40: {  	v1 =	vld [tilespmem:s8+$0x19D00];
	_ =	sdelay $0x4  }
0x41: {  	v1 =	vsub.f32 $0.0e+00, v1;
	_ =	sdelay $0x1  }
0x42: {  	v1 =	vmul.f32 $1.442695020e+00, v1;
	_ =	sdelay $0x1  }
0x43: {  	(erf) = vpow2.f32 v1;
	_ =	sdelay $0x8  }
0x44: {  	v1 =	vpop (erf)  }
0x45: {  	v1 =	vadd.f32 $1.000000000e+00, v1;
	_ =	sdelay $0x1  }
0x46: {  	(erf) = vrcp.f32 v1;
	_ =	sdelay $0x7  }
0x47: {  	s3 =	sshll.u32 s3, $0x9  }
0x48: {  	s3 =	sand.u32 $0x3FFFFE00, s3;
	v1 =	vpop (erf)  }
.Ltmp4:
0x49: {  	s3 =	sadd.s32 s3, s4;
	[tilespmem:s8+$0x19D00] =	vst v1;
	(pc) =	sbr.rel .LBB2_6-.Ltmp4, $4  }
0x4a: {  	[spmem:s3] =	stream.linear.scatter [tilespmem:s19], [sflag:$0x3], $0x200, $0x38;
	[tilespmem:$0x1D3C8] =	vst v63  }
0x4b: {  	_ =	swait.ge [sflag:s16], $0x200  }
0x4c: {  	[sflag:s16] =	ssyncset.done $0x0  }
0x4d: {  	[sflag:s16] =	ssyncadd.s32 $0xFFFFFE00  }
.LBB2_7:
.Ltmp5:
0x4e: {  	(pc) =	sbr.rel .LBB2_8-.Ltmp5, $2  }
0x4f: {  	_ =	sdelay $0x2  }
0x50: {  	s0 =	simm.s32 $0x0  }
.LBB2_12:
0x51: {  	s0 =	sadd.s32 $0x1, s0  }
0x52: {  	p1 =	sne.s32 s0, $0x8  }
.Ltmp6:
0x53: {  	_ = 	snop;
	(pc) =	sbr.rel @!p1 .LBB2_13-.Ltmp6, $1  }
0x54: {  	_ =	sdelay $0x3  }
.LBB2_8:
0x55: {  	s3 =	sshll.u32 s0, $0x4  }
0x56: {  	s3 =	sor.u32 s5, s3  }
0x57: {  	p1 =	sgt.u32 s3, $0x7C  }
.Ltmp7:
0x58: {  	_ = 	snop;
	(pc) =	sbr.rel @p1 .LBB2_12-.Ltmp7, $1  }
0x59: {  	_ =	sdelay $0x3  }
0x5a: {  	s8 =	sshll.u32 s3, $0x6  }
0x5b: {  	s11 =	simm.s32 $0x0;
	s8 =	sadd.s32 s10, s8  }
0x5c: {  	[tilespmem:s19], [sflag:$0x4] =	stream.linear.gather [hbm4b:s8+s11], $0x200, $0x38;
	[tilespmem:$0x1D3C8] =	vst v63  }
0x5d: {  	_ =	swait.ge [sflag:s20], $0x200  }
0x5e: {  	[sflag:s20] =	ssyncset.done $0x0  }
0x5f: {  	s8 =	simm.s32 $0x0;
	s11 =	simm.s32 $0x40;
	[sflag:s20] =	ssyncadd.s32 $0xFFFFFE00  }
.LBB2_10:
0x60: {  	p1 =	sne.s32 s11, $0x7C0;
	v1 =	vld [tilespmem:s8+$0x19D00];
	_ =	sdelay $0x4  }
0x61: {  	v1 =	vsub.f32 $0.0e+00, v1;
	_ =	sdelay $0x1  }
0x62: {  	v1 =	vmul.f32 $1.442695020e+00, v1;
	_ =	sdelay $0x1  }
0x63: {  	(erf) = vpow2.f32 v1;
	_ =	sdelay $0x8  }
0x64: {  	v1 =	vpop (erf)  }
0x65: {  	v1 =	vadd.f32 $1.000000000e+00, v1;
	_ =	sdelay $0x1  }
0x66: {  	(erf) = vrcp.f32 v1;
	_ =	sdelay $0x5  }
.Ltmp8:
0x67: {  	(pc) =	sbr.rel @p1 .LBB2_10-.Ltmp8, $3  }
0x68: {  	_ =	sdelay $0x1  }
0x69: {  	v1 =	vpop (erf)  }
0x6a: {  	[tilespmem:s8+$0x19D00] =	vst v1;
	s8 =	sshra.s32 s11, $0x2;
	s11 =	sadd.s32 $0x40, s11  }
0x6b: {  	v1 =	vld [tilespmem:s8+$0x19D00];
	_ =	sdelay $0x4  }
0x6c: {  	v1 =	vsub.f32 $0.0e+00, v1;
	_ =	sdelay $0x1  }
0x6d: {  	v1 =	vmul.f32 $1.442695020e+00, v1;
	_ =	sdelay $0x1  }
0x6e: {  	(erf) = vpow2.f32 v1;
	_ =	sdelay $0x8  }
0x6f: {  	v1 =	vpop (erf)  }
0x70: {  	v1 =	vadd.f32 $1.000000000e+00, v1;
	_ =	sdelay $0x1  }
0x71: {  	(erf) = vrcp.f32 v1;
	_ =	sdelay $0x7  }
0x72: {  	s3 =	sshll.u32 s3, $0x9  }
0x73: {  	s3 =	sand.u32 $0x3FFFFE00, s3;
	v1 =	vpop (erf)  }
.Ltmp9:
0x74: {  	s3 =	sadd.s32 s3, s6;
	[tilespmem:s8+$0x19D00] =	vst v1;
	(pc) =	sbr.rel .LBB2_12-.Ltmp9, $4  }
0x75: {  	[spmem:s3] =	stream.linear.scatter [tilespmem:s19], [sflag:$0x3], $0x200, $0x38;
	[tilespmem:$0x1D3C8] =	vst v63  }
0x76: {  	_ =	swait.ge [sflag:s16], $0x200  }
0x77: {  	[sflag:s16] =	ssyncset.done $0x0  }
0x78: {  	[sflag:s16] =	ssyncadd.s32 $0xFFFFFE00  }
.LBB2_13:
0x79: {  	[bflag:$0x0] =	sbarrier.arrive $0xFFFF  }
0x7a: {  	[tilespmem:$0x15E58] =	vst v19  }
0x7b: {  	s0 =	simm.s32 $0x0;
	s11 =	simm.s32 $0x6220;
	[tilespmem:$0x16A58] =	vst v19  }
.LBB2_14:
0x7c: {  	s3 =	smul.u32 $0x6400, s0  }
0x7d: {  	s8 =	smul.u32 $0x960, s0  }
0x7e: {  	s3 =	sshra.s32 s3, $0x2  }
0x7f: {  	s13 =	sshra.s32 s8, $0x2;
	s3 =	sadd.s32 s3, s4  }
0x80: {  	[tilespmem:s21], [sflag:$0x1] =	stream.linear.gather [spmem:s3], $0x1900, $0x38;
	[tilespmem:$0x1D3C8] =	vst v63  }
0x81: {  	s3 =	sadd.s32 s13, s1  }
0x82: {  	[tilespmem:s22], [sflag:$0x2] =	stream.linear.gather [spmem:s3], $0x258, $0x38;
	[tilespmem:$0x1D3C8] =	vst v63  }
0x83: {  	_ =	swait.ge [sflag:s23], $0x1900  }
0x84: {  	[sflag:s23] =	ssyncset.done $0x0  }
0x85: {  	[sflag:s23] =	ssyncadd.s32 $0xFFFFE700  }
0x86: {  	_ =	swait.ge [sflag:s24], $0x258  }
0x87: {  	s31 =	simm.s32 $0x40;
	s12 =	simm.s32 $0x0;
	[sflag:s24] =	ssyncset.done $0x0  }
0x88: {  	s8 =	simm.s32 $0xFFFFFFFE;
	s3 =	smov.u32 s11;
	[sflag:s24] =	ssyncadd.s32 $0xFFFFFDA8  }
.LBB2_15:
0x89: {  	v1 =	vadd.s32 s12, v0;
	_ =	sdelay $0x4  }
0x8a: {  	v1 =	vld.idx.msk [tilespmem:v1+s22+$0x0], $0xffff;
	_ =	sdelay $0x4  }
0x8b: {  	v2 =	vmul.u32 $0x5556, v1;
	_ =	sdelay $0x1  }
0x8c: {  	v2 =	vshrl.u32 v2, $0x10  }
0x8d: {  	v3 =	vbroadcast v2, $0x0;
	_ =	sdelay $0x1  }
0x8e: {  	v6 =	vbroadcast v2, $0x1;
	v5 =	vadd.s32 v4, v3;
	_ =	sdelay $0x1  }
0x8f: {  	v8 =	vbroadcast v2, $0x2;
	v7 =	vadd.s32 v4, v6  }
0x90: {  	v1 =	vld.idx.msk [tilespmem:v1+s15+$0x0], $0xffff;
	v9 =	vbroadcast v2, $0x3  }
0x91: {  	v11 =	vbroadcast v2, $0x4;
	v10 =	vadd.s32 v4, v8  }
0x92: {  	v2 =	vbroadcast v2, $0x5;
	v12 =	vadd.s32 v4, v9;
	v5 =	vld.idx.msk [tilespmem:v5+s7+$0x0], $0xffff  }
0x93: {  	v13 =	vadd.s32 v4, v11  }
0x94: {  	v14 =	vadd.s32 v4, v2;
	v7 =	vld.idx.msk [tilespmem:v7+s7+$0x0], $0xffff  }
0x95: {  	v3 =	vadd.s32 v20, v3;
	v15 =	vbroadcast v1, $0x0  }
0x96: {  	v6 =	vadd.s32 v20, v6;
	v10 =	vld.idx.msk [tilespmem:v10+s7+$0x0], $0xffff  }
0x97: {  	v8 =	vadd.s32 v20, v8;
	v12 =	vld.idx.msk [tilespmem:v12+s7+$0x0], $0xffff;
	vm0 =	vgt.f32 v5, v15;
	v5 =	vbroadcast v1, $0x1  }
0x98: {  	v9 =	vadd.s32 v20, v9;
	v11 =	vadd.s32 v20, v11;
	v13 =	vld.idx.msk [tilespmem:v13+s7+$0x0], $0xffff  }
0x99: {  	v2 =	vadd.s32 v20, v2;
	v14 =	vld.idx.msk [tilespmem:v14+s7+$0x0], $0xffff;
	vm5 =	vgt.f32 v7, v5;
	v7 =	vbroadcast v1, $0x2  }
0x9a: {  	v18 =	vbroadcast v1, $0x3;
	v3 =	vld.idx.msk [tilespmem:v3+s7+$0x0], $0xffff;
	v16 =	vsel vm0, $0x1, v19;
	v17 =	vsel vm5, $0x2, v19  }
0x9b: {  	v6 =	vld.idx.msk [tilespmem:v6+s7+$0x0], $0xffff;
	vm6 =	vgt.f32 v10, v7;
	v49 =	vor.u32 v16, v17;
	v16 =	vbroadcast v1, $0x4  }
0x9c: {  	v8 =	vld.idx.msk [tilespmem:v8+s7+$0x0], $0xffff;
	vm7 =	vgt.f32 v12, v18;
	v1 =	vbroadcast v1, $0x5;
	v17 =	vsel vm6, $0x4, v19  }
0x9d: {  	v9 =	vld.idx.msk [tilespmem:v9+s7+$0x0], $0xffff;
	v12 =	vsel vm7, $0x8, v19;
	vm8 =	vgt.f32 v13, v16;
	v10 =	vor.u32 v17, v49  }
0x9e: {  	v11 =	vld.idx.msk [tilespmem:v11+s7+$0x0], $0xffff;
	vm9 =	vgt.f32 v14, v1;
	v13 =	vsel vm8, $0x10, v19;
	v10 =	vor.u32 v12, v10  }
0x9f: {  	v2 =	vld.idx.msk [tilespmem:v2+s7+$0x0], $0xffff;
	vm10 =	vgt.f32 v3, v15;
	v50 =	vsel vm9, $0x20, v19;
	v3 =	vor.u32 v13, v10  }
0xa0: {  	s13 =	sadd.s32 $0xFFFFFFC0, s31;
	v51 =	vsel vm10, $0x1, v19;
	vm11 =	vgt.f32 v6, v5;
	v3 =	vor.u32 v50, v3  }
0xa1: {  	v5 =	vsel vm11, $0x2, v19;
	vm12 =	vgt.f32 v8, v7;
	v3 =	vor.u32 s13, v3  }
0xa2: {  	vm13 =	vgt.f32 v9, v18;
	v5 =	vor.u32 v51, v5;
	v6 =	vsel vm12, $0x4, v19  }
0xa3: {  	v7 =	vsel vm13, $0x8, v19;
	vm14 =	vgt.f32 v11, v16;
	v5 =	vor.u32 v6, v5  }
0xa4: {  	vm15 =	vgt.f32 v2, v1;
	v6 =	vsel vm14, $0x10, v19;
	v1 =	vor.u32 v7, v5  }
0xa5: {  	v2 =	vsel vm15, $0x20, v19;
	v1 =	vor.u32 v6, v1  }
0xa6: {  	v1 =	vor.u32 v2, v1;
	v3 =	vld.idx.msk [tilespmem:v3+s21+$0x0], $0xffff  }
0xa7: {  	v1 =	vor.u32 s13, v1;
	_ =	sdelay $0x3  }
0xa8: {  	[tilespmem:s3+$0xFFFFFFE0] =	vst v3  }
0xa9: {  	s13 =	sadd.s32 $0x6, s12;
	v1 =	vld.idx.msk [tilespmem:v1+s21+$0x0], $0xffff  }
0xaa: {  	v2 =	vadd.s32 s13, v0;
	_ =	sdelay $0x3  }
0xab: {  	[tilespmem:s3+$0xFFFFFFF0] =	vst v1  }
0xac: {  	v1 =	vld.idx.msk [tilespmem:v2+s22+$0x0], $0xffff;
	_ =	sdelay $0x4  }
0xad: {  	v2 =	vmul.u32 $0x5556, v1;
	_ =	sdelay $0x1  }
0xae: {  	v2 =	vshrl.u32 v2, $0x10  }
0xaf: {  	v3 =	vbroadcast v2, $0x0;
	_ =	sdelay $0x1  }
0xb0: {  	v6 =	vbroadcast v2, $0x1;
	v5 =	vadd.s32 v4, v3;
	_ =	sdelay $0x1  }
0xb1: {  	v52 =	vbroadcast v2, $0x2;
	v7 =	vadd.s32 v4, v6  }
0xb2: {  	v1 =	vld.idx.msk [tilespmem:v1+s15+$0x0], $0xffff;
	v53 =	vbroadcast v2, $0x3  }
0xb3: {  	v55 =	vbroadcast v2, $0x4;
	v54 =	vadd.s32 v4, v52  }
0xb4: {  	v2 =	vbroadcast v2, $0x5;
	v56 =	vadd.s32 v4, v53;
	v5 =	vld.idx.msk [tilespmem:v5+s7+$0x0], $0xffff  }
0xb5: {  	v57 =	vadd.s32 v4, v55  }
0xb6: {  	v58 =	vadd.s32 v4, v2;
	v7 =	vld.idx.msk [tilespmem:v7+s7+$0x0], $0xffff  }
0xb7: {  	v3 =	vadd.s32 v20, v3;
	v59 =	vbroadcast v1, $0x0  }
0xb8: {  	v6 =	vadd.s32 v20, v6;
	v10 =	vld.idx.msk [tilespmem:v54+s7+$0x0], $0xffff  }
0xb9: {  	v8 =	vadd.s32 v20, v52;
	v12 =	vld.idx.msk [tilespmem:v56+s7+$0x0], $0xffff;
	vm4 =	vgt.f32 v5, v59;
	v5 =	vbroadcast v1, $0x1  }
0xba: {  	v9 =	vadd.s32 v20, v53;
	v11 =	vadd.s32 v20, v55;
	v13 =	vld.idx.msk [tilespmem:v57+s7+$0x0], $0xffff  }
0xbb: {  	v2 =	vadd.s32 v20, v2;
	v14 =	vld.idx.msk [tilespmem:v58+s7+$0x0], $0xffff;
	vm5 =	vgt.f32 v7, v5;
	v7 =	vbroadcast v1, $0x2  }
0xbc: {  	v18 =	vbroadcast v1, $0x3;
	v3 =	vld.idx.msk [tilespmem:v3+s7+$0x0], $0xffff;
	v16 =	vsel vm4, $0x1, v19;
	v17 =	vsel vm5, $0x2, v19  }
0xbd: {  	v6 =	vld.idx.msk [tilespmem:v6+s7+$0x0], $0xffff;
	vm6 =	vgt.f32 v10, v7;
	v60 =	vor.u32 v16, v17;
	v16 =	vbroadcast v1, $0x4  }
0xbe: {  	v8 =	vld.idx.msk [tilespmem:v8+s7+$0x0], $0xffff;
	vm7 =	vgt.f32 v12, v18;
	v1 =	vbroadcast v1, $0x5;
	v17 =	vsel vm6, $0x4, v19  }
0xbf: {  	v9 =	vld.idx.msk [tilespmem:v9+s7+$0x0], $0xffff;
	v12 =	vsel vm7, $0x8, v19;
	vm8 =	vgt.f32 v13, v16;
	v10 =	vor.u32 v17, v60  }
0xc0: {  	v11 =	vld.idx.msk [tilespmem:v11+s7+$0x0], $0xffff;
	vm9 =	vgt.f32 v14, v1;
	v10 =	vor.u32 v12, v10;
	v61 =	vsel vm8, $0x10, v19  }
0xc1: {  	v2 =	vld.idx.msk [tilespmem:v2+s7+$0x0], $0xffff;
	vm10 =	vgt.f32 v3, v59;
	v62 =	vsel vm9, $0x20, v19;
	v3 =	vor.u32 v61, v10  }
0xc2: {  	v63 =	vsel vm10, $0x1, v19;
	vm11 =	vgt.f32 v6, v5;
	v3 =	vor.u32 v62, v3  }
0xc3: {  	v5 =	vsel vm11, $0x2, v19;
	vm12 =	vgt.f32 v8, v7;
	v3 =	vor.u32 s31, v3  }
0xc4: {  	vm13 =	vgt.f32 v9, v18;
	v5 =	vor.u32 v63, v5;
	v6 =	vsel vm12, $0x4, v19  }
0xc5: {  	v7 =	vsel vm13, $0x8, v19;
	vm14 =	vgt.f32 v11, v16;
	v5 =	vor.u32 v6, v5  }
0xc6: {  	vm15 =	vgt.f32 v2, v1;
	v6 =	vsel vm14, $0x10, v19;
	v1 =	vor.u32 v7, v5  }
0xc7: {  	v2 =	vsel vm15, $0x20, v19;
	v1 =	vor.u32 v6, v1  }
0xc8: {  	v1 =	vor.u32 v2, v1;
	v3 =	vld.idx.msk [tilespmem:v3+s21+$0x0], $0xffff  }
0xc9: {  	v1 =	vor.u32 s31, v1;
	_ =	sdelay $0x3  }
0xca: {  	s8 =	sadd.s32 $0x2, s8;
	[tilespmem:s3+$0x0] =	vst v3  }
0xcb: {  	p1 =	slt.u32 s8, $0x62;
	v1 =	vld.idx.msk [tilespmem:v1+s21+$0x0], $0xffff  }
.Ltmp10:
0xcc: {  	_ = 	snop;
	(pc) =	sbr.rel @p1 .LBB2_15-.Ltmp10, $2  }
0xcd: {  	_ =	sdelay $0x2  }
0xce: {  	s12 =	sadd.s32 $0xC, s12;
	s31 =	sadd.s32 $0x80, s31;
	[tilespmem:s3+$0x10] =	vst v1;
	s3 =	sadd.s32 $0x40, s3  }
0xcf: {  	s0 =	sadd.s32 $0x1, s0  }
0xd0: {  	p1 =	sne.s32 s0, $0x14  }
.Ltmp11:
0xd1: {  	_ = 	snop;
	(pc) =	sbr.rel @p1 .LBB2_14-.Ltmp11, $2  }
0xd2: {  	_ =	sdelay $0x2  }
0xd3: {  	s11 =	sadd.s32 $0xC80, s11;
	s31 =	simm.s32 $0x0  }
0xd4: {  	s3 =	simm.s32 $0x0  }
.LBB2_18:
0xd5: {  	s0 =	smul.u32 $0x6400, s3  }
0xd6: {  	s8 =	smul.u32 $0x960, s3  }
0xd7: {  	s0 =	sshra.s32 s0, $0x2  }
0xd8: {  	s13 =	sshra.s32 s8, $0x2;
	s0 =	sadd.s32 s0, s6  }
0xd9: {  	[tilespmem:s25], [sflag:$0x1] =	stream.linear.gather [spmem:s0], $0x1900, $0x38;
	[tilespmem:$0x1D3C8] =	vst v63  }
0xda: {  	s0 =	sadd.s32 s13, s2  }
0xdb: {  	[tilespmem:s26], [sflag:$0x2] =	stream.linear.gather [spmem:s0], $0x258, $0x38;
	[tilespmem:$0x1D3C8] =	vst v63  }
0xdc: {  	_ =	swait.ge [sflag:s23], $0x1900  }
0xdd: {  	[sflag:s23] =	ssyncset.done $0x0  }
0xde: {  	[sflag:s23] =	ssyncadd.s32 $0xFFFFE700  }
0xdf: {  	_ =	swait.ge [sflag:s24], $0x258  }
0xe0: {  	[sflag:s24] =	ssyncset.done $0x0  }
0xe1: {  	s0 =	simm.s32 $0x183A0;
	[sflag:s24] =	ssyncadd.s32 $0xFFFFFDA8  }
0xe2: {  	v1 =	vld [tilespmem:s0+$0xFFFFFFE0];
	_ =	sdelay $0x4  }
0xe3: {  	v2 =	vbroadcast v1, $0x0  }
0xe4: {  	v3 =	vbroadcast v1, $0x1;
	v7 =	vbroadcast v1, $0x2  }
0xe5: {  	v9 =	vbroadcast v1, $0x3;
	v10 =	vbroadcast v1, $0x4  }
0xe6: {  	v5 =	vld [tilespmem:s0+$0xFFFFFFF0];
	v12 =	vbroadcast v1, $0x5;
	v13 =	vbroadcast v1, $0x6  }
0xe7: {  	v14 =	vbroadcast v1, $0x7;
	v15 =	vbroadcast v1, $0x8  }
0xe8: {  	v16 =	vbroadcast v1, $0x9;
	v17 =	vbroadcast v1, $0xA  }
0xe9: {  	v18 =	vbroadcast v1, $0xB;
	v4 =	vbroadcast v1, $0xC  }
0xea: {  	v6 =	vadd.s32 s31, v0;
	v33 =	vbroadcast v1, $0xD;
	v35 =	vbroadcast v1, $0xE  }
0xeb: {  	v39 =	vbroadcast v1, $0xF;
	v1 =	vbroadcast v5, $0x8;
	_ =	sdelay $0x1  }
0xec: {  	[tilespmem:$0x1FED0] =	vst v1;
	v1 =	vbroadcast v5, $0x9  }
0xed: {  	v41 =	vbroadcast v5, $0x0  }
0xee: {  	v6 =	vld.idx.msk [tilespmem:v6+s26+$0x0], $0xffff;
	v42 =	vbroadcast v5, $0x1;
	[tilespmem:$0x1FEE0] =	vst v1;
	v1 =	vbroadcast v5, $0xA  }
0xef: {  	v8 =	vld [tilespmem:s0+$0x0];
	v43 =	vbroadcast v5, $0x2;
	v44 =	vbroadcast v5, $0x3  }
0xf0: {  	v48 =	vbroadcast v5, $0x4;
	[tilespmem:$0x1FEF0] =	vst v1;
	v1 =	vbroadcast v5, $0xB  }
0xf1: {  	v49 =	vbroadcast v5, $0x5;
	v50 =	vbroadcast v5, $0x6  }
0xf2: {  	v36 =	vbroadcast v5, $0x7;
	[tilespmem:$0x1FF00] =	vst v1;
	v1 =	vbroadcast v5, $0xC  }
0xf3: {  	v19 =	vbroadcast v5, $0xE;
	v20 =	vbroadcast v5, $0xF  }
0xf4: {  	[tilespmem:$0x1FF10] =	vst v1;
	v1 =	vshll.u32 v6, $0x5;
	v6 =	vbroadcast v5, $0xD;
	v5 =	vbroadcast v8, $0x0;
	_ =	sdelay $0x1  }
0xf5: {  	v11 =	vbroadcast v1, $0x0;
	[tilespmem:$0x1FF30] =	vst v5;
	v5 =	vbroadcast v8, $0x1;
	_ =	sdelay $0x1  }
0xf6: {  	[tilespmem:$0x1FF40] =	vst v5;
	v5 =	vor.u32 v0, v11  }
0xf7: {  	v11 =	vor.u32 v32, v11;
	_ =	sdelay $0x3  }
0xf8: {  	v5 =	vld.idx.msk [tilespmem:v5+s28+$0x0], $0xffff  }
0xf9: {  	v11 =	vld.idx.msk [tilespmem:v11+s28+$0x0], $0xffff  }
0xfa: {  	v47 =	vld [tilespmem:s0+$0x10];
	v0 =	vbroadcast v8, $0xA;
	_ =	sdelay $0x1  }
0xfb: {  	v2 =	vpack.i.f32.bf16 v2, v2;
	v3 =	vpack.i.f32.bf16 v3, v3;
	[tilespmem:$0x1FF50] =	vst v0;
	v0 =	vbroadcast v8, $0xB  }
0xfc: {  	v3 =	vsub.bf16 v3, v2  }
0xfd: {  	[tilespmem:$0x1FF60] =	vst v0;
	v0 =	vimm.f32 $0.0e+00;
	v11 =	vpack.i.f32.bf16 v11, v5  }
0xfe: {  	[tilespmem:$0x1FE90] =	vst v0;
	v0 =	vbroadcast v47, $0x9;
	v3 =	vmul.bf16 v3, v11;
	_ =	sdelay $0x1  }
0xff: {  	v34 =	vbroadcast v1, $0x1;
	[tilespmem:$0x1FF70] =	vst v0;
	v0 =	vadd.bf16 v3, v2  }
0x100: {  	v3 =	vpack.i.f32.bf16 v7, v7;
	v7 =	vpack.i.f32.bf16 v9, v9;
	v9 =	vpack.i.f32.bf16 v10, v10  }
0x101: {  	v10 =	vpack.i.f32.bf16 v12, v12;
	v12 =	vpack.i.f32.bf16 v13, v13;
	v13 =	vpack.i.f32.bf16 v14, v14  }
0x102: {  	v14 =	vpack.i.f32.bf16 v15, v15;
	v15 =	vpack.i.f32.bf16 v16, v16;
	v7 =	vsub.bf16 v7, v3  }
0x103: {  	[tilespmem:$0x1FEC0] =	vst v1;
	v1 =	vld [tilespmem:$0x1FED0];
	v16 =	vpack.i.f32.bf16 v17, v17;
	v17 =	vpack.i.f32.bf16 v18, v18;
	v15 =	vsub.bf16 v15, v14  }
0x104: {  	v17 =	vsub.bf16 v17, v16;
	[tilespmem:$0x1FEA0] =	vst v0;
	v0 =	vbroadcast v47, $0xA;
	v7 =	vmul.bf16 v7, v11;
	_ =	sdelay $0x1  }
0x105: {  	[tilespmem:$0x1FF80] =	vst v0;
	v0 =	vadd.bf16 v7, v3;
	v7 =	vmul.bf16 v15, v11;
	v15 =	vmul.bf16 v17, v11;
	_ =	sdelay $0x1  }
0x106: {  	v5 =	vadd.bf16 v15, v16;
	v16 =	vpack.i.f32.bf16 v1, v1;
	v1 =	vld [tilespmem:$0x1FEE0];
	_ =	sdelay $0x4  }
0x107: {  	v10 =	vsub.bf16 v10, v9;
	v13 =	vsub.bf16 v13, v12;
	v3 =	vpack.i.f32.bf16 v1, v1;
	v1 =	vld [tilespmem:$0x1FEF0];
	_ =	sdelay $0x1  }
0x108: {  	v10 =	vmul.bf16 v10, v11;
	v13 =	vmul.bf16 v13, v11;
	_ =	sdelay $0x1  }
0x109: {  	[tilespmem:$0x1FEB0] =	vst v0;
	v0 =	vadd.bf16 v10, v9;
	v9 =	vadd.bf16 v13, v12  }
0x10a: {  	v12 =	vpack.i.f32.bf16 v4, v4;
	v4 =	vpack.i.f32.bf16 v35, v35;
	v35 =	vpack.i.f32.bf16 v1, v1;
	v1 =	vld [tilespmem:$0x1FF00];
	_ =	sdelay $0x1  }
0x10b: {  	v21 =	vbroadcast v8, $0x2  }
0x10c: {  	v37 =	vbroadcast v8, $0x3;
	v22 =	vbroadcast v8, $0x4  }
0x10d: {  	v24 =	vbroadcast v8, $0x5;
	v29 =	vbroadcast v8, $0x6  }
0x10e: {  	[tilespmem:$0x1FF20] =	vst v6;
	v6 =	vadd.bf16 v7, v14;
	v7 =	vpack.i.f32.bf16 v36, v36;
	v36 =	vpack.i.f32.bf16 v1, v1;
	v1 =	vld [tilespmem:$0x1FF10]  }
0x10f: {  	v23 =	vbroadcast v8, $0x7;
	v25 =	vbroadcast v8, $0x8  }
0x110: {  	v30 =	vbroadcast v8, $0x9;
	v26 =	vbroadcast v8, $0xC  }
0x111: {  	v28 =	vbroadcast v8, $0xD;
	v27 =	vbroadcast v8, $0xE  }
0x112: {  	v57 =	vbroadcast v8, $0xF;
	v58 =	vbroadcast v47, $0x0  }
0x113: {  	v59 =	vbroadcast v47, $0x1;
	v60 =	vbroadcast v47, $0x2;
	v17 =	vpack.i.f32.bf16 v1, v1;
	v1 =	vld [tilespmem:$0x1FF20]  }
0x114: {  	v61 =	vbroadcast v47, $0x3;
	v62 =	vbroadcast v47, $0x4  }
0x115: {  	v63 =	vbroadcast v47, $0x5;
	v31 =	vbroadcast v47, $0x6  }
0x116: {  	v55 =	vbroadcast v47, $0x7;
	v56 =	vbroadcast v47, $0x8  }
0x117: {  	v40 =	vbroadcast v47, $0xB;
	v52 =	vbroadcast v47, $0xC  }
0x118: {  	v51 =	vbroadcast v47, $0xD;
	v14 =	vpack.i.f32.bf16 v48, v48;
	v48 =	vpack.i.f32.bf16 v1, v1;
	v1 =	vld [tilespmem:$0x1FF30]  }
0x119: {  	v53 =	vbroadcast v47, $0xE;
	v54 =	vbroadcast v47, $0xF;
	v38 =	vpack.i.f32.bf16 v33, v33  }
0x11a: {  	v45 =	vpack.i.f32.bf16 v39, v39;
	v46 =	vpack.i.f32.bf16 v42, v42;
	v33 =	vpack.i.f32.bf16 v44, v44  }
0x11b: {  	v44 =	vpack.i.f32.bf16 v49, v49;
	v19 =	vpack.i.f32.bf16 v19, v19;
	v21 =	vpack.i.f32.bf16 v21, v21  }
0x11c: {  	v37 =	vpack.i.f32.bf16 v37, v37;
	v22 =	vpack.i.f32.bf16 v22, v22;
	v42 =	vpack.i.f32.bf16 v24, v24  }
0x11d: {  	v10 =	vpack.i.f32.bf16 v41, v41;
	v41 =	vpack.i.f32.bf16 v20, v20;
	v20 =	vpack.i.f32.bf16 v1, v1;
	v1 =	vld [tilespmem:$0x1FF40]  }
0x11e: {  	v24 =	vpack.i.f32.bf16 v29, v29;
	v30 =	vpack.i.f32.bf16 v30, v30;
	v39 =	vpack.i.f32.bf16 v26, v26  }
0x11f: {  	v27 =	vpack.i.f32.bf16 v27, v27;
	v57 =	vpack.i.f32.bf16 v57, v57;
	v29 =	vpack.i.f32.bf16 v62, v62  }
0x120: {  	v31 =	vpack.i.f32.bf16 v31, v31;
	v55 =	vpack.i.f32.bf16 v55, v55;
	v8 =	vpack.i.f32.bf16 v60, v60  }
0x121: {  	v60 =	vpack.i.f32.bf16 v63, v63;
	v18 =	vpack.i.f32.bf16 v43, v43;
	[tilespmem:$0x1FFB0] =	vst v4;
	v45 =	vsub.bf16 v45, v4;
	v4 =	vld [tilespmem:$0x1FF70]  }
0x122: {  	v62 =	vsub.bf16 v33, v18;
	v33 =	vpack.i.f32.bf16 v56, v56;
	v2 =	vpack.i.f32.bf16 v1, v1;
	v1 =	vld [tilespmem:$0x1FF50]  }
0x123: {  	v47 =	vpack.i.f32.bf16 v28, v28;
	v28 =	vpack.i.f32.bf16 v58, v58;
	v15 =	vpack.i.f32.bf16 v50, v50  }
0x124: {  	v50 =	vpack.i.f32.bf16 v23, v23;
	v13 =	vpack.i.f32.bf16 v52, v52;
	v52 =	vsub.bf16 v57, v27  }
0x125: {  	v23 =	vpack.i.f32.bf16 v25, v25;
	v46 =	vsub.bf16 v46, v10;
	v56 =	vsub.bf16 v44, v14  }
0x126: {  	v63 =	vsub.bf16 v7, v15;
	v44 =	vpack.i.f32.bf16 v4, v4;
	v4 =	vpack.i.f32.bf16 v40, v40  }
0x127: {  	v40 =	vsub.bf16 v2, v20;
	v2 =	vsub.bf16 v42, v22;
	v25 =	vpack.i.f32.bf16 v1, v1;
	v1 =	vld [tilespmem:$0x1FF60]  }
0x128: {  	v58 =	vpack.i.f32.bf16 v59, v59;
	v41 =	vsub.bf16 v41, v19;
	v49 =	vsub.bf16 v3, v16;
	v3 =	vld [tilespmem:$0x1FF80]  }
0x129: {  	v7 =	vmul.bf16 v45, v11;
	v59 =	vsub.bf16 v36, v35;
	[tilespmem:$0x1FF90] =	vst v2;
	v2 =	vsub.bf16 v30, v23  }
0x12a: {  	v56 =	vmul.bf16 v56, v11;
	v36 =	vsub.bf16 v37, v21;
	v37 =	vsub.bf16 v50, v24  }
0x12b: {  	v48 =	vsub.bf16 v48, v17;
	[tilespmem:$0x1FFA0] =	vst v2;
	v2 =	vpack.i.f32.bf16 v54, v54;
	v54 =	vmul.bf16 v46, v11  }
0x12c: {  	v43 =	vpack.i.f32.bf16 v1, v1;
	v1 =	vpack.i.f32.bf16 v61, v61;
	v61 =	vsub.bf16 v38, v12  }
0x12d: {  	v26 =	vmovc v12;
	v12 =	vpack.i.f32.bf16 v3, v3;
	v3 =	vpack.i.f32.bf16 v51, v51;
	v51 =	vsub.bf16 v58, v28  }
0x12e: {  	v38 =	vpack.i.f32.bf16 v53, v53;
	v30 =	vsub.bf16 v43, v25;
	v50 =	vsub.bf16 v1, v8  }
0x12f: {  	v43 =	vsub.bf16 v44, v33;
	v44 =	vsub.bf16 v4, v12;
	v1 =	vmul.bf16 v61, v11  }
0x130: {  	v58 =	vmul.bf16 v49, v11;
	v45 =	vsub.bf16 v3, v13;
	v46 =	vsub.bf16 v2, v38;
	v2 =	vmovc v34;
	v3 =	vld [tilespmem:$0x1FFA0]  }
0x131: {  	v49 =	vor.u32 v32, v2;
	v32 =	vmovc v12;
	v12 =	vld [tilespmem:$0x1FFB0];
	v4 =	vadd.bf16 v1, v26;
	v1 =	vlaneseq.u32  }
0x132: {  	v57 =	vmul.bf16 v63, v11;
	v61 =	vmul.bf16 v48, v11;
	v48 =	vor.u32 v1, v34;
	v1 =	vld [tilespmem:$0x1FF90]  }
0x133: {  	v59 =	vmul.bf16 v59, v11;
	v63 =	vmul.bf16 v36, v11;
	v42 =	vsub.bf16 v55, v31  }
0x134: {  	v55 =	vmul.bf16 v62, v11;
	v62 =	vmul.bf16 v41, v11;
	v53 =	vsub.bf16 v47, v39  }
0x135: {  	v47 =	vsub.bf16 v60, v29;
	v60 =	vmul.bf16 v40, v11;
	v2 =	vmul.bf16 v37, v11  }
0x136: {  	v41 =	vmul.bf16 v30, v11;
	v40 =	vadd.bf16 v7, v12;
	v7 =	vimm.f32 $0.0e+00  }
0x137: {  	s8 =	simm.s32 $0x6;
	v34 =	vmov v13;
	v3 =	vmul.bf16 v3, v11;
	[tilespmem:$0x1FFC0] =	vst v7;
	v1 =	vmul.bf16 v1, v11  }
.LBB2_19:
0x138: {  	v53 =	vmul.bf16 v53, v11  }
0x139: {  	v47 =	vmul.bf16 v47, v11;
	v17 =	vadd.bf16 v61, v17;
	v19 =	vadd.bf16 v62, v19  }
0x13a: {  	v52 =	vmul.bf16 v52, v11;
	v20 =	vadd.bf16 v60, v20;
	v21 =	vadd.bf16 v63, v21  }
0x13b: {  	v51 =	vmul.bf16 v51, v11;
	v1 =	vadd.bf16 v1, v22;
	v2 =	vadd.bf16 v2, v24  }
0x13c: {  	v50 =	vmul.bf16 v50, v11;
	v3 =	vadd.bf16 v3, v23;
	v23 =	vadd.bf16 v41, v25  }
0x13d: {  	v22 =	vmul.bf16 v42, v11;
	v40 =	vsub.bf16 v40, v4;
	v25 =	vadd.bf16 v53, v39  }
0x13e: {  	v24 =	vmul.bf16 v43, v11;
	v29 =	vadd.bf16 v47, v29;
	v26 =	vadd.bf16 v52, v27  }
0x13f: {  	v28 =	vadd.bf16 v51, v28;
	v30 =	vadd.bf16 v50, v8  }
0x140: {  	v22 =	vadd.bf16 v22, v31;
	v24 =	vadd.bf16 v24, v33  }
0x141: {  	v19 =	vsub.bf16 v19, v17;
	v21 =	vsub.bf16 v21, v20  }
0x142: {  	v7 =	vld [tilespmem:$0x1FEC0];
	v2 =	vsub.bf16 v2, v1;
	v23 =	vsub.bf16 v23, v3  }
0x143: {  	v27 =	vmul.bf16 v44, v11;
	v12 =	vadd.bf16 v54, v10;
	v13 =	vadd.bf16 v55, v18  }
0x144: {  	v51 =	vmul.bf16 v45, v11;
	v31 =	vld.idx.msk [tilespmem:v48+s28+$0x0], $0xffff;
	v14 =	vadd.bf16 v56, v14;
	v15 =	vadd.bf16 v57, v15  }
0x145: {  	v11 =	vmul.bf16 v46, v11;
	v52 =	vld.idx.msk [tilespmem:v49+s28+$0x0], $0xffff;
	v16 =	vadd.bf16 v58, v16;
	v18 =	vadd.bf16 v59, v35  }
0x146: {  	v55 =	vsub.bf16 v9, v0;
	v57 =	vsub.bf16 v5, v6;
	v5 =	vlaneseq.u32  }
0x147: {  	v27 =	vadd.bf16 v27, v32;
	v36 =	vbroadcast v7, $0x4;
	v37 =	vadd.bf16 v51, v34  }
0x148: {  	v11 =	vadd.bf16 v11, v38;
	v53 =	vbroadcast v7, $0x3;
	v26 =	vsub.bf16 v26, v25  }
0x149: {  	v8 =	vld [tilespmem:$0x1FEA0];
	v56 =	vbroadcast v7, $0x2;
	v30 =	vsub.bf16 v30, v28;
	v22 =	vsub.bf16 v22, v29  }
0x14a: {  	v10 =	vld [tilespmem:$0x1FEB0];
	v13 =	vsub.bf16 v13, v12;
	v15 =	vsub.bf16 v15, v14;
	v31 =	vpack.i.f32.bf16 v52, v31  }
0x14b: {  	v58 =	vor.u32 v5, v36;
	v59 =	vor.u32 v5, v56;
	v5 =	vld [tilespmem:$0x1FFF0];
	v33 =	vmul.bf16 v55, v31  }
0x14c: {  	v18 =	vsub.bf16 v18, v16;
	v60 =	vmul.bf16 v57, v31;
	v61 =	vmul.bf16 v40, v31  }
0x14d: {  	v27 =	vsub.bf16 v27, v24;
	v13 =	vmul.bf16 v13, v31;
	v15 =	vmul.bf16 v15, v31  }
0x14e: {  	v11 =	vsub.bf16 v11, v37;
	v18 =	vmul.bf16 v18, v31;
	v19 =	vmul.bf16 v19, v31  }
0x14f: {  	v54 =	vsub.bf16 v10, v8;
	v21 =	vmul.bf16 v21, v31;
	v2 =	vmul.bf16 v2, v31  }
0x150: {  	v23 =	vmul.bf16 v23, v31;
	v9 =	vadd.bf16 v33, v0;
	v41 =	vor.u32 v5, v56  }
0x151: {  	v11 =	vmul.bf16 v11, v31;
	v10 =	vadd.bf16 v60, v6;
	v62 =	vadd.bf16 v61, v4  }
0x152: {  	v32 =	vmul.bf16 v54, v31;
	v12 =	vadd.bf16 v13, v12;
	v14 =	vadd.bf16 v15, v14  }
0x153: {  	v13 =	vmul.bf16 v26, v31;
	v15 =	vadd.bf16 v18, v16;
	v17 =	vadd.bf16 v19, v17  }
0x154: {  	v16 =	vmul.bf16 v30, v31;
	v19 =	vadd.bf16 v21, v20;
	v1 =	vadd.bf16 v2, v1;
	v26 =	vld.idx.msk [tilespmem:v59+s28+$0x0], $0xffff  }
0x155: {  	v20 =	vmul.bf16 v22, v31;
	v2 =	vadd.bf16 v23, v3;
	v11 =	vadd.bf16 v11, v37;
	v18 =	vld.idx.msk [tilespmem:v41+s28+$0x0], $0xffff  }
0x156: {  	v3 =	vmul.bf16 v27, v31;
	v8 =	vadd.bf16 v32, v8;
	v13 =	vadd.bf16 v13, v25  }
0x157: {  	v0 =	vlaneseq.u32;
	v16 =	vadd.bf16 v16, v28;
	v20 =	vadd.bf16 v20, v29  }
0x158: {  	v21 =	vor.u32 v0, v53;
	v3 =	vadd.bf16 v3, v24;
	v24 =	vsub.bf16 v62, v10  }
0x159: {  	v22 =	vor.u32 v5, v53;
	v14 =	vsub.bf16 v14, v12;
	v9 =	vsub.bf16 v9, v8  }
0x15a: {  	v17 =	vsub.bf16 v17, v15;
	v1 =	vsub.bf16 v1, v19;
	v18 =	vpack.i.f32.bf16 v18, v26  }
0x15b: {  	v13 =	vsub.bf16 v13, v2;
	v9 =	vmul.bf16 v9, v18;
	v24 =	vmul.bf16 v24, v18  }
0x15c: {  	v20 =	vsub.bf16 v20, v16;
	v14 =	vmul.bf16 v14, v18;
	v17 =	vmul.bf16 v17, v18  }
0x15d: {  	v11 =	vsub.bf16 v11, v3;
	v21 =	vld.idx.msk [tilespmem:v21+s28+$0x0], $0xffff;
	v1 =	vmul.bf16 v1, v18;
	v13 =	vmul.bf16 v13, v18  }
0x15e: {  	v22 =	vld.idx.msk [tilespmem:v22+s28+$0x0], $0xffff;
	v20 =	vmul.bf16 v20, v18;
	v8 =	vadd.bf16 v9, v8;
	v24 =	vadd.bf16 v24, v10  }
0x15f: {  	v11 =	vmul.bf16 v11, v18;
	v12 =	vadd.bf16 v14, v12;
	v14 =	vadd.bf16 v17, v15  }
0x160: {  	v23 =	vor.u32 v5, v36;
	v1 =	vadd.bf16 v1, v19;
	v2 =	vadd.bf16 v13, v2  }
0x161: {  	v13 =	vadd.bf16 v20, v16;
	v3 =	vadd.bf16 v11, v3  }
0x162: {  	v6 =	vbroadcast v7, $0x5;
	v11 =	vsub.bf16 v24, v8;
	v14 =	vsub.bf16 v14, v12  }
0x163: {  	v15 =	vpack.i.f32.bf16 v22, v21;
	v2 =	vsub.bf16 v2, v1;
	v3 =	vsub.bf16 v3, v13  }
0x164: {  	v16 =	vld.idx.msk [tilespmem:v58+s28+$0x0], $0xffff;
	v19 =	vmul.bf16 v11, v15;
	v14 =	vmul.bf16 v14, v15  }
0x165: {  	v18 =	vor.u32 v0, v6;
	v17 =	vld.idx.msk [tilespmem:v23+s28+$0x0], $0xffff;
	v2 =	vmul.bf16 v2, v15;
	v3 =	vmul.bf16 v3, v15  }
0x166: {  	v6 =	vor.u32 v5, v6;
	v8 =	vadd.bf16 v19, v8;
	v12 =	vadd.bf16 v14, v12  }
0x167: {  	v1 =	vadd.bf16 v2, v1;
	v2 =	vadd.bf16 v3, v13  }
0x168: {  	s0 =	sadd.s32 $0x40, s0  }
0x169: {  	v25 =	vld [tilespmem:s0+$0xFFFFFFE0];
	v12 =	vsub.bf16 v12, v8;
	v2 =	vsub.bf16 v2, v1  }
0x16a: {  	v18 =	vld.idx.msk [tilespmem:v18+s28+$0x0], $0xffff;
	v16 =	vpack.i.f32.bf16 v17, v16  }
0x16b: {  	v6 =	vld.idx.msk [tilespmem:v6+s28+$0x0], $0xffff;
	v12 =	vmul.bf16 v12, v16;
	v2 =	vmul.bf16 v2, v16;
	_ =	sdelay $0x1  }
0x16c: {  	v8 =	vadd.bf16 v12, v8;
	v1 =	vadd.bf16 v2, v1  }
0x16d: {  	v53 =	vbroadcast v25, $0x0;
	v32 =	vbroadcast v25, $0x2;
	v17 =	vld [tilespmem:s0+$0xFFFFFFF0]  }
0x16e: {  	v34 =	vbroadcast v25, $0x4;
	v7 =	vbroadcast v25, $0x8;
	v1 =	vsub.bf16 v1, v8  }
0x16f: {  	v38 =	vbroadcast v25, $0xA;
	v41 =	vbroadcast v25, $0xD;
	v6 =	vpack.i.f32.bf16 v6, v18  }
0x170: {  	v48 =	vbroadcast v25, $0xE;
	v0 =	vld [tilespmem:$0x1FE90];
	v1 =	vmul.bf16 v1, v6  }
0x171: {  	v26 =	vbroadcast v25, $0xF;
	v9 =	vbroadcast v25, $0x1  }
0x172: {  	v33 =	vbroadcast v17, $0x0;
	v5 =	vbroadcast v17, $0x2;
	v1 =	vadd.bf16 v1, v8  }
0x173: {  	v57 =	vbroadcast v17, $0x3;
	v56 =	vbroadcast v17, $0x4  }
0x174: {  	v35 =	vbroadcast v17, $0x5;
	v30 =	vbroadcast v17, $0x6;
	v8 =	vunpack.i.u.bf16.f32 v1  }
0x175: {  	v3 =	vbroadcast v17, $0x7;
	v22 =	vbroadcast v17, $0x8;
	v0 =	vadd.f32 v8, v0  }
0x176: {  	v36 =	vbroadcast v17, $0x9;
	v37 =	vbroadcast v17, $0xA  }
0x177: {  	v39 =	vbroadcast v17, $0xB;
	v42 =	vbroadcast v17, $0xC;
	[tilespmem:$0x1FE90] =	vst v0;
	v0 =	vld [tilespmem:$0x1FFC0]  }
0x178: {  	v43 =	vbroadcast v17, $0xD;
	v44 =	vbroadcast v17, $0xE;
	v6 =	vld [tilespmem:s0+$0x0]  }
0x179: {  	v45 =	vbroadcast v17, $0xF;
	v2 =	vbroadcast v17, $0x1;
	v17 =	vld [tilespmem:s0+$0x10]  }
0x17a: {  	v10 =	vbroadcast v25, $0xB;
	v24 =	vbroadcast v25, $0xC  }
0x17b: {  	v15 =	vbroadcast v25, $0x6;
	v11 =	vbroadcast v25, $0x7;
	v1 =	vunpack.i.l.bf16.f32 v1  }
0x17c: {  	v14 =	vbroadcast v25, $0x3;
	v13 =	vbroadcast v25, $0x5;
	v0 =	vadd.f32 v1, v0  }
0x17d: {  	v16 =	vbroadcast v25, $0x9;
	v46 =	vbroadcast v6, $0x0  }
0x17e: {  	v21 =	vbroadcast v6, $0x1;
	[tilespmem:$0x1FFC0] =	vst v0;
	v0 =	vbroadcast v17, $0x6  }
0x17f: {  	v47 =	vbroadcast v6, $0x2;
	v23 =	vbroadcast v6, $0x3  }
0x180: {  	v29 =	vlaneseq.u32;
	v49 =	vbroadcast v6, $0x4;
	[tilespmem:$0x1FD10] =	vst v0;
	v0 =	vbroadcast v17, $0x7  }
0x181: {  	v9 =	vpack.i.f32.bf16 v9, v9;
	v50 =	vbroadcast v6, $0x5;
	v51 =	vbroadcast v6, $0x6  }
0x182: {  	v8 =	vadd.s32 s8, v29;
	v52 =	vbroadcast v6, $0x7;
	[tilespmem:$0x1FD20] =	vst v0;
	v0 =	vbroadcast v17, $0x8  }
0x183: {  	v20 =	vpack.i.f32.bf16 v14, v14;
	v29 =	vbroadcast v6, $0x8;
	v25 =	vbroadcast v6, $0x9  }
0x184: {  	v18 =	vpack.i.f32.bf16 v13, v13;
	v40 =	vbroadcast v6, $0xA;
	[tilespmem:$0x1FD30] =	vst v0;
	v0 =	vbroadcast v17, $0x9  }
0x185: {  	v13 =	vpack.i.f32.bf16 v15, v15;
	v28 =	vbroadcast v6, $0xB;
	v27 =	vbroadcast v6, $0xC  }
0x186: {  	v15 =	vpack.i.f32.bf16 v7, v7;
	v58 =	vbroadcast v6, $0xD;
	[tilespmem:$0x1FD40] =	vst v0;
	v0 =	vbroadcast v17, $0xA  }
0x187: {  	v31 =	vpack.i.f32.bf16 v16, v16;
	v59 =	vbroadcast v6, $0xE;
	v60 =	vbroadcast v6, $0xF;
	v6 =	vld.idx.msk [tilespmem:v8+s26+$0x0], $0xffff  }
0x188: {  	v16 =	vpack.i.f32.bf16 v38, v38;
	v61 =	vbroadcast v17, $0x0;
	[tilespmem:$0x1FD50] =	vst v0;
	v0 =	vbroadcast v17, $0xB  }
0x189: {  	v12 =	vpack.i.f32.bf16 v10, v10;
	v62 =	vbroadcast v17, $0x1;
	v1 =	vbroadcast v17, $0xD  }
0x18a: {  	v10 =	vpack.i.f32.bf16 v26, v26;
	v63 =	vbroadcast v17, $0x2;
	[tilespmem:$0x1FD60] =	vst v0;
	v0 =	vbroadcast v17, $0xC  }
0x18b: {  	v38 =	vpack.i.f32.bf16 v42, v42;
	v19 =	vbroadcast v17, $0x3;
	[tilespmem:$0x1FD80] =	vst v1;
	v1 =	vbroadcast v17, $0xE  }
0x18c: {  	v4 =	vbroadcast v17, $0x4;
	v54 =	vbroadcast v17, $0x5;
	[tilespmem:$0x1FD70] =	vst v0;
	v0 =	vshll.u32 v6, $0x5  }
0x18d: {  	v42 =	vpack.i.f32.bf16 v19, v19;
	v26 =	vpack.i.f32.bf16 v29, v29;
	[tilespmem:$0x1FD90] =	vst v1;
	v1 =	vbroadcast v0, $0x1  }
0x18e: {  	v29 =	vpack.i.f32.bf16 v4, v4;
	v4 =	vlaneseq.u32;
	[tilespmem:$0x1FEC0] =	vst v0;
	v0 =	vbroadcast v0, $0x0  }
0x18f: {  	[tilespmem:$0x1FDB0] =	vst v1;
	v1 =	vbroadcast v17, $0xF;
	v17 =	vpack.i.f32.bf16 v53, v53;
	v53 =	vpack.i.f32.bf16 v32, v32  }
0x190: {  	v32 =	vpack.i.f32.bf16 v2, v2;
	v2 =	vpack.i.f32.bf16 v56, v56;
	v56 =	vpack.i.f32.bf16 v35, v35  }
0x191: {  	v35 =	vpack.i.f32.bf16 v37, v37;
	v37 =	vpack.i.f32.bf16 v39, v39;
	v39 =	vpack.i.f32.bf16 v43, v43  }
0x192: {  	v43 =	vpack.i.f32.bf16 v28, v28;
	v28 =	vpack.i.f32.bf16 v61, v61;
	v61 =	vpack.i.f32.bf16 v63, v63  }
0x193: {  	[tilespmem:$0x1FE20] =	vst v15;
	v63 =	vor.u32 v4, v0;
	v4 =	vld [tilespmem:$0x1FFF0];
	v19 =	vsub.bf16 v9, v17;
	v9 =	vsub.bf16 v20, v53  }
0x194: {  	v55 =	vpack.i.f32.bf16 v11, v11;
	[tilespmem:$0x1FE10] =	vst v2;
	v20 =	vsub.bf16 v31, v15;
	v15 =	vsub.bf16 v56, v2;
	v2 =	vld [tilespmem:$0x1FD40]  }
0x195: {  	v11 =	vpack.i.f32.bf16 v41, v41;
	v14 =	vpack.i.f32.bf16 v34, v34;
	v7 =	vpack.i.f32.bf16 v24, v24  }
0x196: {  	[tilespmem:$0x1FDF0] =	vst v14;
	v18 =	vsub.bf16 v18, v14;
	v14 =	vsub.bf16 v55, v13;
	v34 =	vpack.i.f32.bf16 v45, v45  }
0x197: {  	v24 =	vpack.i.f32.bf16 v51, v51;
	v51 =	vpack.i.f32.bf16 v62, v62;
	v8 =	vpack.i.f32.bf16 v3, v3  }
0x198: {  	v3 =	vpack.i.f32.bf16 v22, v22;
	v22 =	vpack.i.f32.bf16 v21, v21;
	v0 =	vor.u32 v4, v0  }
0x199: {  	[tilespmem:$0x1FE00] =	vst v13;
	v21 =	vpack.i.f32.bf16 v47, v47;
	v47 =	vpack.i.f32.bf16 v25, v25;
	v56 =	vpack.i.f32.bf16 v2, v2;
	v2 =	vld [tilespmem:$0x1FD50]  }
0x19a: {  	v25 =	vpack.i.f32.bf16 v40, v40;
	v40 =	vpack.i.f32.bf16 v27, v27;
	v13 =	vld [tilespmem:$0x1FD10];
	[tilespmem:$0x1FDA0] =	vst v1;
	v1 =	vpack.i.f32.bf16 v44, v44  }
0x19b: {  	v27 =	vpack.i.f32.bf16 v59, v59;
	v59 =	vsub.bf16 v37, v35;
	v62 =	vsub.bf16 v34, v1;
	v37 =	vmovc v1;
	v1 =	vld [tilespmem:$0x1FD70]  }
0x19c: {  	v33 =	vpack.i.f32.bf16 v33, v33;
	v44 =	vpack.i.f32.bf16 v23, v23;
	v23 =	vsub.bf16 v11, v7;
	v11 =	vld.idx.msk [tilespmem:v63+s28+$0x0], $0xffff  }
0x19d: {  	v41 =	vpack.i.f32.bf16 v5, v5;
	v5 =	vpack.i.f32.bf16 v30, v30;
	v30 =	vpack.i.f32.bf16 v49, v49;
	v0 =	vld.idx.msk [tilespmem:v0+s28+$0x0], $0xffff  }
0x19e: {  	[tilespmem:$0x1FE40] =	vst v5;
	v45 =	vpack.i.f32.bf16 v50, v50;
	v8 =	vsub.bf16 v8, v5;
	v5 =	vpack.i.f32.bf16 v2, v2;
	v2 =	vld [tilespmem:$0x1FD60]  }
0x19f: {  	v57 =	vpack.i.f32.bf16 v57, v57;
	[tilespmem:$0x1FE30] =	vst v16;
	v12 =	vsub.bf16 v12, v16;
	v16 =	vsub.bf16 v45, v30  }
0x1a0: {  	v6 =	vpack.i.f32.bf16 v48, v48;
	v48 =	vpack.i.f32.bf16 v46, v46;
	v32 =	vsub.bf16 v32, v33  }
0x1a1: {  	[tilespmem:$0x1FDC0] =	vst v17;
	v31 =	vpack.i.f32.bf16 v13, v13;
	v13 =	vsub.bf16 v57, v41;
	v17 =	vsub.bf16 v44, v21  }
0x1a2: {  	v54 =	vpack.i.f32.bf16 v54, v54;
	v63 =	vsub.bf16 v22, v48;
	v22 =	vmovc v30;
	v30 =	vsub.bf16 v47, v26  }
0x1a3: {  	v34 =	vpack.i.f32.bf16 v1, v1;
	v1 =	vld [tilespmem:$0x1FD80];
	v11 =	vpack.i.f32.bf16 v0, v11;
	v57 =	vpack.i.f32.bf16 v2, v2  }
0x1a4: {  	v47 =	vsub.bf16 v54, v29;
	v54 =	vmul.bf16 v32, v11;
	v32 =	vmovc v5;
	v44 =	vsub.bf16 v57, v5;
	v5 =	vld [tilespmem:$0x1FDB0];
	_ =	sdelay $0x3  }
0x1a5: {  	v49 =	vpack.i.f32.bf16 v58, v58;
	v45 =	vpack.i.f32.bf16 v1, v1;
	v1 =	vld [tilespmem:$0x1FD90]  }
0x1a6: {  	[tilespmem:$0x1FDD0] =	vst v53;
	v53 =	vsub.bf16 v49, v40;
	v49 =	vor.u32 v4, v5;
	v4 =	vld [tilespmem:$0x1FDC0];
	_ =	sdelay $0x2  }
0x1a7: {  	v0 =	vmul.bf16 v19, v11  }
0x1a8: {  	v50 =	vpack.i.f32.bf16 v60, v60  }
0x1a9: {  	v60 =	vsub.bf16 v39, v38;
	v39 =	vmovc v38;
	v38 =	vpack.i.f32.bf16 v1, v1;
	v1 =	vld [tilespmem:$0x1FDA0];
	v0 =	vadd.bf16 v0, v4;
	_ =	sdelay $0x1  }
0x1aa: {  	[tilespmem:$0x1FEA0] =	vst v0;
	v0 =	vld [tilespmem:$0x1FDD0]  }
0x1ab: {  	v36 =	vpack.i.f32.bf16 v36, v36  }
0x1ac: {  	v58 =	vsub.bf16 v36, v3;
	v46 =	vpack.i.f32.bf16 v52, v52  }
0x1ad: {  	v36 =	vsub.bf16 v46, v24;
	v46 =	vpack.i.f32.bf16 v1, v1;
	v1 =	vmul.bf16 v9, v11;
	_ =	sdelay $0x1  }
0x1ae: {  	v0 =	vadd.bf16 v1, v0;
	_ =	sdelay $0x1  }
0x1af: {  	[tilespmem:$0x1FEB0] =	vst v0;
	v0 =	vld [tilespmem:$0x1FDF0];
	_ =	sdelay $0x2  }
0x1b0: {  	v2 =	vmul.bf16 v18, v11  }
0x1b1: {  	[tilespmem:$0x1FE60] =	vst v6;
	v10 =	vsub.bf16 v10, v6;
	v6 =	vld [tilespmem:$0x1FD30]  }
0x1b2: {  	v0 =	vadd.bf16 v2, v0;
	v2 =	vld [tilespmem:$0x1FE00];
	_ =	sdelay $0x2  }
0x1b3: {  	[tilespmem:$0x1FE80] =	vst v3;
	v3 =	vmul.bf16 v14, v11  }
0x1b4: {  	[tilespmem:$0x1FE70] =	vst v33;
	v33 =	vpack.i.f32.bf16 v6, v6;
	v9 =	vlaneseq.u32  }
0x1b5: {  	v6 =	vmul.bf16 v20, v11;
	v20 =	vmovc v48;
	v48 =	vor.u32 v9, v5;
	v9 =	vadd.bf16 v3, v2;
	v3 =	vld [tilespmem:$0x1FE20];
	_ =	sdelay $0x1  }
0x1b6: {  	[tilespmem:$0x1FE50] =	vst v7;
	v7 =	vld [tilespmem:$0x1FD20];
	_ =	sdelay $0x2  }
0x1b7: {  	v6 =	vadd.bf16 v6, v3;
	v3 =	vld [tilespmem:$0x1FE30]  }
0x1b8: {  	[tilespmem:$0x1FDE0] =	vst v41;
	v52 =	vsub.bf16 v50, v27;
	v41 =	vsub.bf16 v43, v25  }
0x1b9: {  	v50 =	vsub.bf16 v42, v61;
	v55 =	vpack.i.f32.bf16 v7, v7;
	v7 =	vmul.bf16 v12, v11  }
0x1ba: {  	v43 =	vsub.bf16 v56, v33;
	v12 =	vmul.bf16 v23, v11;
	v10 =	vmul.bf16 v10, v11  }
0x1bb: {  	v42 =	vsub.bf16 v55, v31;
	v55 =	vmul.bf16 v13, v11;
	v56 =	vmul.bf16 v15, v11;
	v4 =	vld [tilespmem:$0x1FE50]  }
0x1bc: {  	p1 =	sne.s32 s8, $0x252;
	v58 =	vmul.bf16 v58, v11;
	v59 =	vmul.bf16 v59, v11;
	v5 =	vadd.bf16 v7, v3;
	v7 =	vld [tilespmem:$0x1FE60]  }
.Ltmp12:
0x1bd: {  	v51 =	vsub.bf16 v51, v28;
	v62 =	vmul.bf16 v62, v11;
	v18 =	vld [tilespmem:$0x1FDE0];
	v41 =	vmul.bf16 v41, v11;
	(pc) =	sbr.rel @p1 .LBB2_19-.Ltmp12, $4  }
0x1be: {  	v45 =	vsub.bf16 v45, v34;
	v14 =	vld [tilespmem:$0x1FE10];
	v57 =	vmul.bf16 v8, v11;
	v8 =	vmovc v61;
	v61 =	vmul.bf16 v60, v11  }
0x1bf: {  	v23 =	vmovc v26;
	v19 =	vmov v37;
	v15 =	vld [tilespmem:$0x1FE40];
	v60 =	vmul.bf16 v63, v11;
	v63 =	vmul.bf16 v17, v11  }
0x1c0: {  	v17 =	vmovc v39;
	v46 =	vsub.bf16 v46, v38;
	v4 =	vadd.bf16 v12, v4;
	v1 =	vmul.bf16 v16, v11;
	v16 =	vld [tilespmem:$0x1FE80]  }
0x1c1: {  	s8 =	sadd.s32 $0x6, s8;
	v39 =	vmovc v40;
	v2 =	vmul.bf16 v36, v11;
	v3 =	vmul.bf16 v30, v11;
	v40 =	vadd.bf16 v10, v7;
	v10 =	vld [tilespmem:$0x1FE70]  }
0x1c2: {  	v17 =	vadd.bf16 v61, v17;
	v19 =	vadd.bf16 v62, v19  }
0x1c3: {  	v20 =	vadd.bf16 v60, v20;
	v21 =	vadd.bf16 v63, v21  }
0x1c4: {  	v1 =	vadd.bf16 v1, v22;
	v60 =	vadd.bf16 v41, v25  }
0x1c5: {  	v12 =	vmul.bf16 v53, v11;
	v9 =	vsub.bf16 v9, v0;
	v5 =	vsub.bf16 v5, v6  }
0x1c6: {  	v61 =	vmul.bf16 v43, v11;
	v13 =	vadd.bf16 v56, v14;
	v2 =	vadd.bf16 v2, v24  }
0x1c7: {  	v62 =	vmul.bf16 v44, v11;
	v3 =	vadd.bf16 v3, v23;
	v14 =	vadd.bf16 v57, v15  }
0x1c8: {  	v36 =	vmovc v32;
	v45 =	vmul.bf16 v45, v11;
	v12 =	vadd.bf16 v12, v39;
	v24 =	vadd.bf16 v61, v33  }
0x1c9: {  	v56 =	vmul.bf16 v51, v11;
	v25 =	vadd.bf16 v62, v36;
	v19 =	vsub.bf16 v19, v17  }
0x1ca: {  	v37 =	vmov v34;
	v21 =	vsub.bf16 v21, v20;
	v16 =	vadd.bf16 v58, v16  }
0x1cb: {  	v57 =	vmul.bf16 v50, v11;
	v26 =	vadd.bf16 v56, v28;
	v28 =	vadd.bf16 v45, v37  }
0x1cc: {  	v41 =	vld [tilespmem:$0x1FEC0];
	v58 =	vmul.bf16 v47, v11;
	v2 =	vsub.bf16 v2, v1;
	v23 =	vsub.bf16 v60, v3  }
0x1cd: {  	v30 =	vld.idx.msk [tilespmem:v48+s28+$0x0], $0xffff;
	v47 =	vmul.bf16 v46, v11;
	v7 =	vadd.bf16 v54, v10;
	v10 =	vadd.bf16 v55, v18  }
0x1ce: {  	v50 =	vld.idx.msk [tilespmem:v49+s28+$0x0], $0xffff;
	v55 =	vmul.bf16 v52, v11;
	v18 =	vadd.bf16 v59, v35;
	v63 =	vadd.bf16 v57, v8  }
0x1cf: {  	v39 =	vld [tilespmem:$0x1FFF0];
	v59 =	vmul.bf16 v42, v11;
	v14 =	vsub.bf16 v14, v13;
	v25 =	vsub.bf16 v25, v24  }
0x1d0: {  	v37 =	vlaneseq.u32;
	v29 =	vadd.bf16 v58, v29;
	v11 =	vadd.bf16 v47, v38  }
0x1d1: {  	v32 =	vbroadcast v41, $0x4;
	v15 =	vadd.bf16 v55, v27;
	v22 =	vadd.bf16 v59, v31  }
0x1d2: {  	v51 =	vld [tilespmem:$0x1FEA0];
	v54 =	vbroadcast v41, $0x2;
	v55 =	vsub.bf16 v40, v4;
	v10 =	vsub.bf16 v10, v7  }
0x1d3: {  	v52 =	vld [tilespmem:$0x1FEB0];
	v56 =	vbroadcast v41, $0x3;
	v18 =	vsub.bf16 v18, v16;
	v27 =	vsub.bf16 v63, v26  }
0x1d4: {  	v57 =	vor.u32 v37, v54;
	v33 =	vor.u32 v39, v54;
	v30 =	vpack.i.f32.bf16 v50, v30  }
0x1d5: {  	v11 =	vsub.bf16 v11, v28;
	v9 =	vmul.bf16 v9, v30;
	v5 =	vmul.bf16 v5, v30  }
0x1d6: {  	v15 =	vsub.bf16 v15, v12;
	v31 =	vmul.bf16 v55, v30;
	v10 =	vmul.bf16 v10, v30  }
0x1d7: {  	v22 =	vsub.bf16 v22, v29;
	v14 =	vmul.bf16 v14, v30;
	v18 =	vmul.bf16 v18, v30  }
0x1d8: {  	v53 =	vmovc v0;
	v19 =	vmul.bf16 v19, v30;
	v2 =	vmul.bf16 v2, v30;
	v8 =	vsub.bf16 v52, v51  }
0x1d9: {  	v60 =	vmul.bf16 v23, v30;
	v59 =	vadd.bf16 v9, v53;
	v5 =	vadd.bf16 v5, v6  }
0x1da: {  	v11 =	vmul.bf16 v11, v30;
	v61 =	vadd.bf16 v31, v4;
	v7 =	vadd.bf16 v10, v7  }
0x1db: {  	v62 =	vmul.bf16 v15, v30;
	v13 =	vadd.bf16 v14, v13;
	v63 =	vadd.bf16 v18, v16  }
0x1dc: {  	v31 =	vmul.bf16 v27, v30;
	v17 =	vadd.bf16 v19, v17;
	v36 =	vmul.bf16 v22, v30  }
0x1dd: {  	v1 =	vadd.bf16 v2, v1;
	v2 =	vadd.bf16 v60, v3;
	v3 =	vmul.bf16 v25, v30;
	v34 =	vld.idx.msk [tilespmem:v57+s28+$0x0], $0xffff  }
0x1de: {  	v8 =	vmul.bf16 v8, v30;
	v11 =	vadd.bf16 v11, v28;
	v38 =	vld.idx.msk [tilespmem:v33+s28+$0x0], $0xffff;
	v40 =	vadd.bf16 v62, v12  }
0x1df: {  	v43 =	vor.u32 v37, v32;
	v42 =	vadd.bf16 v31, v26;
	v44 =	vadd.bf16 v36, v29  }
0x1e0: {  	v58 =	vmul.bf16 v21, v30;
	v3 =	vadd.bf16 v3, v24;
	v0 =	vadd.bf16 v8, v51  }
0x1e1: {  	v45 =	vor.u32 v37, v56;
	v9 =	vsub.bf16 v61, v5;
	v13 =	vsub.bf16 v13, v7  }
0x1e2: {  	v47 =	vor.u32 v39, v56;
	v8 =	vadd.bf16 v58, v20;
	v46 =	vsub.bf16 v59, v0  }
0x1e3: {  	v17 =	vsub.bf16 v17, v63;
	v6 =	vsub.bf16 v40, v2;
	v16 =	vpack.i.f32.bf16 v38, v34  }
0x1e4: {  	v1 =	vsub.bf16 v1, v8;
	v4 =	vmul.bf16 v46, v16;
	v9 =	vmul.bf16 v9, v16  }
0x1e5: {  	v15 =	vsub.bf16 v44, v42;
	v13 =	vmul.bf16 v13, v16;
	v17 =	vmul.bf16 v17, v16  }
0x1e6: {  	v18 =	vld.idx.msk [tilespmem:v45+s28+$0x0], $0xffff;
	v11 =	vsub.bf16 v11, v3;
	v1 =	vmul.bf16 v1, v16;
	v6 =	vmul.bf16 v6, v16  }
0x1e7: {  	v48 =	vld.idx.msk [tilespmem:v47+s28+$0x0], $0xffff;
	v50 =	vmul.bf16 v15, v16;
	v0 =	vadd.bf16 v4, v0;
	v49 =	vadd.bf16 v9, v5  }
0x1e8: {  	v11 =	vmul.bf16 v11, v16;
	v7 =	vadd.bf16 v13, v7;
	v51 =	vadd.bf16 v17, v63  }
0x1e9: {  	v52 =	vor.u32 v39, v32;
	v1 =	vadd.bf16 v1, v8;
	v2 =	vadd.bf16 v6, v2  }
0x1ea: {  	v5 =	vadd.bf16 v50, v42;
	v3 =	vadd.bf16 v11, v3  }
0x1eb: {  	v53 =	vbroadcast v41, $0x5;
	v4 =	vsub.bf16 v49, v0;
	v54 =	vsub.bf16 v51, v7  }
0x1ec: {  	v55 =	vpack.i.f32.bf16 v48, v18;
	v2 =	vsub.bf16 v2, v1;
	v3 =	vsub.bf16 v3, v5  }
0x1ed: {  	v56 =	vld.idx.msk [tilespmem:v43+s28+$0x0], $0xffff;
	v4 =	vmul.bf16 v4, v55;
	v8 =	vmul.bf16 v54, v55  }
0x1ee: {  	v58 =	vor.u32 v37, v53;
	v57 =	vld.idx.msk [tilespmem:v52+s28+$0x0], $0xffff;
	v2 =	vmul.bf16 v2, v55;
	v3 =	vmul.bf16 v3, v55  }
0x1ef: {  	v6 =	vor.u32 v39, v53;
	v0 =	vadd.bf16 v4, v0;
	v59 =	vadd.bf16 v8, v7  }
0x1f0: {  	v1 =	vadd.bf16 v2, v1;
	v2 =	vadd.bf16 v3, v5;
	_ =	sdelay $0x1  }
0x1f1: {  	v3 =	vsub.bf16 v59, v0;
	v2 =	vsub.bf16 v2, v1  }
0x1f2: {  	v60 =	vld.idx.msk [tilespmem:v58+s28+$0x0], $0xffff;
	v61 =	vpack.i.f32.bf16 v57, v56  }
0x1f3: {  	v6 =	vld.idx.msk [tilespmem:v6+s28+$0x0], $0xffff;
	v3 =	vmul.bf16 v3, v61;
	v2 =	vmul.bf16 v2, v61;
	_ =	sdelay $0x1  }
0x1f4: {  	v0 =	vadd.bf16 v3, v0;
	v1 =	vadd.bf16 v2, v1;
	_ =	sdelay $0x1  }
0x1f5: {  	v1 =	vsub.bf16 v1, v0  }
0x1f6: {  	v2 =	vpack.i.f32.bf16 v6, v60  }
0x1f7: {  	v1 =	vmul.bf16 v1, v2  }
0x1f8: {  	v62 =	vld [tilespmem:$0x1FFC0]  }
0x1f9: {  	v63 =	vld [tilespmem:$0x1FE90];
	v0 =	vadd.bf16 v1, v0;
	v1 =	vmul.u32 $0xA, v37;
	_ =	sdelay $0x1  }
0x1fa: {  	v3 =	vadd.s32 s3, v1;
	v1 =	vadd.s32 $0xA0, v1  }
0x1fb: {  	v2 =	vunpack.i.l.bf16.f32 v0;
	v1 =	vadd.s32 s3, v1;
	s3 =	sadd.s32 $0x1, s3  }
0x1fc: {  	v0 =	vunpack.i.u.bf16.f32 v0;
	v2 =	vadd.f32 v2, v62;
	p1 =	sne.s32 s3, $0xA  }
.Ltmp13:
0x1fd: {  	v0 =	vadd.f32 v0, v63;
	(pc) =	sbr.rel @p1 .LBB2_18-.Ltmp13, $4  }
0x1fe: {  	v2 =	vmul.f32 $3.000000120e-01, v2  }
0x1ff: {  	v0 =	vmul.f32 $3.000000120e-01, v0  }
0x200: {  	[tilespmem:v3+s29+$0x0] =	vst.idx.msk $0xffff, v2  }
0x201: {  	v32 =	vmov v39;
	[tilespmem:v1+s29+$0x0] =	vst.idx.msk $0xffff, v0;
	v0 =	vlaneseq.u32  }
0x202: {  	s30 =	sadd.s32 $0x1, s30  }
0x203: {  	p1 =	sne.s32 s30, s14  }
.Ltmp14:
0x204: {  	s0 =	rddreg [dreg:$0xa];
	(pc) =	sbr.rel @p1 .LBB2_1-.Ltmp14, $4  }
0x205: {  	[hbm4b:s0+s7] =	stream.linear.scatter [tilespmem:s29], [sflag:$0x3], $0x140, $0x38;
	[tilespmem:$0x1D3C8] =	vst v63  }
0x206: {  	_ =	swait.ge [sflag:s16], $0x140  }
0x207: {  	[sflag:s16] =	ssyncset.done $0x0;
	v4 =	vld [tilespmem:$0x1FFD0]  }
0x208: {  	v19 =	vimm.s32 $0x0;
	v20 =	vld [tilespmem:$0x1FFE0];
	[sflag:s16] =	ssyncadd.s32 $0xFFFFFEC0  }
0x209: {  	_ =	sfence.sel $0x180000  }
0x20a: {  	[bflag:$0x0] =	sbarrier.arrive $0xFFFF  }
0x20b: {  	_ =	strace $0x90000047  }
0x20c: {  	[bflag:$0x2] =	sbarrier.arrive $0xFFFF  }
0x20d: {  	s0 =	rddreg [dreg:$0x6]  }
0x20e: {  	s0 =	sadd.s32 @!p0 $0x100000, s0  }
0x20f: {  	[sflag:s0] =	ssyncadd.tile.s32 @!p0 $0x1;
	_ =	shalt  }
.Lfunc_end2:
_tile_overlayer_lowered:
.L_overlay_start_2:
0x210: {  	(tag) =	ssettag $0x2  }
0x211: {  	s0 =	rddreg [dreg:$0x0];
	s2 =	stileid.u32  }
0x212: {  	s1 =	rddreg [dreg:$0x1];
	p0 =	sne.s32 s2, $0x0  }
0x213: {  	s3 =	rddreg [dreg:$0x2];
	[bflag:$0x3] =	sbarrier.arrive $0xFFFF;
	s2 =	simm.s32 @!p0 $0x1C03  }
0x214: {  	[timem:s3], [sflag:s2] =	dma.local @!p0 [hbm:s0], s1  }
0x215: {  	s0 =	simm.s32 @!p0 $0x3  }
0x216: {  	_ =	swait.ge @!p0 [sflag:s0], s1  }
0x217: {  	s1 =	ssub.s32 @!p0 $0x0, s1;
	[sflag:s0] =	ssyncset.done @!p0 $0x0  }
0x218: {  	[sflag:s0] =	ssyncadd.s32 @!p0 s1  }
0x219: {  	[bflag:$0x3] =	sbarrier.arrive $0xFFFF  }
0x21a: {  	_ =	shalt  }

</sc_bundles>
